<compile_context>
chip_gen: v7x
topology: tpu7x:2x2x1
jax: 0.10.2.dev20260603
libtpu: 0.0.44.dev20260713+nightly
codegen_flags: <defaults>
</compile_context>

<pallas_src>
import functools

import jax
import jax.numpy as jnp
from jax import lax
from jax.experimental import pallas as pl
from jax.experimental.pallas import tpu as pltpu
from jax.experimental.pallas import tpu_sc as plsc

SRC_DIM = 1024
K = 512
IN_DIM = 256
COMMIT = 0.25

N_TOTAL = 16384
BN = 512
NW = 32
CHUNK = 32
NBUF = 3


def _tc_body(zf_ref, w_ref, b_ref, ct_ref, idx_ref, loss_ref, acc_ref, cn_ref):
    i = pl.program_id(0)

    @pl.when(i == 0)
    def _init():
        cn_ref[...] = jnp.sum(ct_ref[...] * ct_ref[...], axis=0, keepdims=True)
        acc_ref[0] = 0.0

    zp = jnp.dot(zf_ref[...], w_ref[...], preferred_element_type=jnp.float32)
    zp = zp + b_ref[...]
    g = jnp.dot(zp, ct_ref[...], preferred_element_type=jnp.float32)
    rn = jnp.sum(zp * zp, axis=1, keepdims=True)
    d = rn + cn_ref[...] - 2.0 * g
    minval = jnp.min(d, axis=1, keepdims=True)
    colid = lax.broadcasted_iota(jnp.int32, d.shape, 1).astype(jnp.float32)
    cand = jnp.where(d == minval, colid, float(K))
    idx_ref[0, 0, :] = jnp.min(cand, axis=1).astype(jnp.int32)

    acc_ref[0] += jnp.sum(minval)

    @pl.when(i == pl.num_programs(0) - 1)
    def _fini():
        scale = (1.0 + COMMIT) / (N_TOTAL * SRC_DIM)
        loss_ref[...] = jnp.full((1, 1), acc_ref[0] * scale, jnp.float32)


def _tc_distances(zf, W, b2, ct):
    n = zf.shape[0]
    nb = n // BN
    idx3, loss = pl.pallas_call(
        _tc_body,
        grid=(nb,),
        in_specs=[
            pl.BlockSpec((BN, IN_DIM), lambda i: (i, 0)),
            pl.BlockSpec((IN_DIM, SRC_DIM), lambda i: (0, 0)),
            pl.BlockSpec((1, SRC_DIM), lambda i: (0, 0)),
            pl.BlockSpec((SRC_DIM, K), lambda i: (0, 0)),
        ],
        out_specs=[
            pl.BlockSpec((1, 1, BN), lambda i: (i, 0, 0)),
            pl.BlockSpec((1, 1), lambda i: (0, 0)),
        ],
        out_shape=[
            jax.ShapeDtypeStruct((nb, 1, BN), jnp.int32),
            jax.ShapeDtypeStruct((1, 1), jnp.float32),
        ],
        scratch_shapes=[
            pltpu.SMEM((1,), jnp.float32),
            pltpu.VMEM((1, K), jnp.float32),
        ],
    )(zf, W, b2, ct)
    return idx3, loss


def _make_sc_gather(n):
    rows_per_w = n // NW
    n_iters = rows_per_w // CHUNK
    mesh = plsc.VectorSubcoreMesh(core_axis_name="c", subcore_axis_name="s")

    @functools.partial(
        pl.kernel,
        mesh=mesh,
        out_type=jax.ShapeDtypeStruct((n, SRC_DIM), jnp.float32),
        scratch_types=[
            pltpu.VMEM((rows_per_w,), jnp.int32),
            pltpu.VMEM((CHUNK, SRC_DIM), jnp.float32),
            pltpu.VMEM((CHUNK, SRC_DIM), jnp.float32),
            pltpu.VMEM((CHUNK, SRC_DIM), jnp.float32),
            pltpu.SemaphoreType.DMA,
            pltpu.SemaphoreType.DMA,
        ],
    )
    def _sc_gather(codebook_hbm, idx_hbm, out_hbm,
                   idx_v, rows0, rows1, rows2, gsem, ssem):
        wid = lax.axis_index("s") * 2 + lax.axis_index("c")
        base = wid * rows_per_w
        bufs = (rows0, rows1, rows2)
        gh = [None] * NBUF
        sh = [None] * NBUF
        pltpu.sync_copy(idx_hbm.at[pl.ds(base, CHUNK)],
                        idx_v.at[pl.ds(0, CHUNK)])
        gh[0] = pltpu.async_copy(
            codebook_hbm.at[idx_v.at[pl.ds(0, CHUNK)]], bufs[0], gsem)
        pltpu.sync_copy(idx_hbm.at[pl.ds(base + CHUNK, rows_per_w - CHUNK)],
                        idx_v.at[pl.ds(CHUNK, rows_per_w - CHUNK)])
        gh[1] = pltpu.async_copy(
            codebook_hbm.at[idx_v.at[pl.ds(CHUNK, CHUNK)]], bufs[1], gsem)
        for c in range(n_iters):
            s = c % NBUF
            gh[s].wait()
            gh[s] = None
            t = (c + 2) % NBUF
            if c + 2 < n_iters:
                if sh[t] is not None:
                    sh[t].wait()
                    sh[t] = None
                gh[t] = pltpu.async_copy(
                    codebook_hbm.at[idx_v.at[pl.ds((c + 2) * CHUNK, CHUNK)]],
                    bufs[t], gsem)
            sh[s] = pltpu.async_copy(
                bufs[s], out_hbm.at[pl.ds(base + c * CHUNK, CHUNK)], ssem)
        for s in sh:
            if s is not None:
                s.wait()

    return _sc_gather


def kernel(z, W, b, codebook):
    lead_shape = z.shape[:-1]
    zf = z.reshape(-1, IN_DIM)
    n = zf.shape[0]
    idx3, loss = _tc_distances(zf, W, b.reshape(1, SRC_DIM), codebook.T)
    idx = idx3.reshape(n)
    q = _make_sc_gather(n)(codebook, idx)
    return (
        q.reshape(lead_shape + (SRC_DIM,)),
        loss[0, 0],
        idx[:, None],
    )

# --- scband reference (transcript-rebuilt; emitter-appended) ---
"""Pipeline reference for scband-emotion-bank-20787641712807 (READ-ONLY COPY).

The authoritative reference and input builder live on the scoring server;
editing this copy changes nothing except your own understanding.
"""

import jax, jax.numpy as jnp
import numpy as np

SRC_DIM = 1024
CODEBOOK_SIZE = 512
IN_DIM = 256
COMMITMENT_COST = 0.25


def setup_inputs(seed: int = 0) -> dict:
    key = jax.random.key(seed)
    k1, k2, k3, k4 = jax.random.split(key, 4)
    z = jax.random.normal(k1, (8, 8, 16, 16, IN_DIM), dtype=jnp.float32)
    # fc: Linear(256 -> 1024). Store weight in [in, out] layout for z @ W.
    bound = 1.0 / np.sqrt(IN_DIM)
    W = jax.random.uniform(k2, (IN_DIM, SRC_DIM), minval=-bound, maxval=bound, dtype=jnp.float32)
    b = jax.random.uniform(k3, (SRC_DIM,), minval=-bound, maxval=bound, dtype=jnp.float32)
    codebook = jax.random.uniform(k4, (CODEBOOK_SIZE, SRC_DIM), minval=-1.0 / CODEBOOK_SIZE, maxval=1.0 / CODEBOOK_SIZE, dtype=jnp.float32)
    return {"z": z, "W": W, "b": b, "codebook": codebook}


def reference(z, W, b, codebook):
    # fc projection 256 -> 1024
    zp = jnp.dot(z, W) + b  # [b, l, d1, d2, src_dim]
    bshape = zp.shape
    c = bshape[-1]
    flat_z = zp.reshape(-1, c)  # [N, 1024]
    distances = (jnp.sum(flat_z ** 2, axis=1, keepdims=True)
                 + jnp.sum(codebook ** 2, axis=1)
                 - 2.0 * jnp.dot(flat_z, codebook.T))  # [N, K]
    encoding_indices = jnp.argmin(distances, axis=1)  # [N]
    encodings = jax.nn.one_hot(encoding_indices, CODEBOOK_SIZE, dtype=flat_z.dtype)  # [N, K]
    quantized = jnp.dot(encodings, codebook).reshape(bshape)
    e_latent_loss = jnp.mean((jax.lax.stop_gradient(quantized) - zp) ** 2)
    q_latent_loss = jnp.mean((quantized - jax.lax.stop_gradient(zp)) ** 2)
    loss = q_latent_loss + COMMITMENT_COST * e_latent_loss
    quantized_st = zp + jax.lax.stop_gradient(quantized - zp)
    return quantized_st, loss, encoding_indices[:, None]

if __name__ == "__main__":
    import jax
    _d = setup_inputs()
    print(jax.jit(kernel)(*tuple(_d.values())))

</pallas_src>

<mosaic_0001>
#map = affine_map<(d0, d1) -> (0, 0)>
#map1 = affine_map<(d0, d1) -> (0)>
module attributes {stable_mosaic.version = 14 : i64} {
  func.func @_sc_gather(%arg0: i32, %arg1: i32, %arg2: memref<512x1024xf32, #tpu.memory_space<hbm>>, %arg3: memref<16384xi32, #tpu.memory_space<hbm>>, %arg4: memref<16384x1024xf32, #tpu.memory_space<hbm>>, %arg5: memref<512xi32, #tpu.memory_space<vmem>>, %arg6: memref<32x1024xf32, #tpu.memory_space<vmem>>, %arg7: memref<32x1024xf32, #tpu.memory_space<vmem>>, %arg8: memref<32x1024xf32, #tpu.memory_space<vmem>>, %arg9: memref<!tpu.dma_semaphore, #tpu.memory_space<semaphore_mem>>, %arg10: memref<!tpu.dma_semaphore, #tpu.memory_space<semaphore_mem>>) attributes {dimension_semantics = [#tpu.dimension_semantics<core_parallel>, #tpu.dimension_semantics<subcore_parallel>], iteration_bounds = array<i64: 2, 16>, scalar_prefetch = 0 : i64, scratch_operands = 6 : i64, tpu.core_type = #tpu.core_type<sc_vector_subcore>, window_params = [{transform_indices = #map}, {transform_indices = #map1}, {transform_indices = #map}]} {
    %mul3A = arith.constant 2 : i32
    %mul3A_0 = arith.muli %arg1, %mul3A : i32
    %add3A = arith.addi %mul3A_0, %arg0 : i32
    %mul3A_1 = arith.constant 512 : i32
    %mul3A_2 = arith.muli %add3A, %mul3A_1 : i32
    "tpu.region"() ({
      %run_scoped3A = tpu.sem_alloc : memref<!tpu.dma_semaphore, #tpu.memory_space<semaphore_mem>>
      %dma_start3A_323 = arith.constant 0 : i32
      %dma_start3A_324 = tpu.memref_slice %arg5[%dma_start3A_323] : memref<512xi32, #tpu.memory_space<vmem>> -> memref<32xi32, #tpu.memory_space<vmem>>
      %dma_start3A_325 = tpu.memref_slice %arg3[%mul3A_2] : memref<16384xi32, #tpu.memory_space<hbm>> -> memref<32xi32, #tpu.memory_space<hbm>>
      %dma_start3A_326 = arith.constant 0 : i32
      %dma_start3A_327 = tpu.memref_slice %arg5[%dma_start3A_326] : memref<512xi32, #tpu.memory_space<vmem>> -> memref<32xi32, #tpu.memory_space<vmem>>
      %dma_start3A_328 = tpu.memref_slice %arg3[%mul3A_2] : memref<16384xi32, #tpu.memory_space<hbm>> -> memref<32xi32, #tpu.memory_space<hbm>>
      tpu.enqueue_dma source(%dma_start3A_328 : memref<32xi32, #tpu.memory_space<hbm>>) target(%dma_start3A_327 : memref<32xi32, #tpu.memory_space<vmem>>) target_semaphore(%run_scoped3A : memref<!tpu.dma_semaphore, #tpu.memory_space<semaphore_mem>>)
      %dma_wait3A_329 = arith.constant 0 : i32
      %dma_wait3A_330 = tpu.memref_slice %arg5[%dma_wait3A_329] : memref<512xi32, #tpu.memory_space<vmem>> -> memref<32xi32, #tpu.memory_space<vmem>>
      %dma_wait3A_331 = tpu.memref_slice %arg3[%mul3A_2] : memref<16384xi32, #tpu.memory_space<hbm>> -> memref<32xi32, #tpu.memory_space<hbm>>
      %dma_wait3A_332 = arith.constant 0 : i32
      %dma_wait3A_333 = tpu.memref_slice %arg5[%dma_wait3A_332] : memref<512xi32, #tpu.memory_space<vmem>> -> memref<32xi32, #tpu.memory_space<vmem>>
      %dma_wait3A_334 = tpu.memref_slice %arg3[%mul3A_2] : memref<16384xi32, #tpu.memory_space<hbm>> -> memref<32xi32, #tpu.memory_space<hbm>>
      tpu.wait_dma2 semaphore(%run_scoped3A : memref<!tpu.dma_semaphore, #tpu.memory_space<semaphore_mem>>) src(%dma_wait3A_334 : memref<32xi32, #tpu.memory_space<hbm>>) dst(%dma_wait3A_333 : memref<32xi32, #tpu.memory_space<vmem>>)
      tpu.yield
    }) : () -> ()
    %dma_start3A = arith.constant 0 : i32
    %dma_start3A_3 = tpu.memref_slice %arg5[%dma_start3A] : memref<512xi32, #tpu.memory_space<vmem>> -> memref<32xi32, #tpu.memory_space<vmem>>
    %dma_start3A_4 = arith.constant 0 : i32
    %dma_start3A_5 = arith.constant 0 : i32
    %dma_start3A_6 = tpu.memref_slice %arg2[%dma_start3A_4, %dma_start3A_5] : memref<512x1024xf32, #tpu.memory_space<hbm>> -> memref<512x1024xf32, #tpu.memory_space<hbm>>
    tpu.enqueue_indirect_dma source(%dma_start3A_6 : memref<512x1024xf32, #tpu.memory_space<hbm>>) target(%arg6 : memref<32x1024xf32, #tpu.memory_space<vmem>>) offsets(%dma_start3A_3 : memref<32xi32, #tpu.memory_space<vmem>>) semaphore(%arg9 : memref<!tpu.dma_semaphore, #tpu.memory_space<semaphore_mem>>)
    %add3A_7 = arith.constant 32 : i32
    %add3A_8 = arith.addi %mul3A_2, %add3A_7 : i32
    "tpu.region"() ({
      %run_scoped3A = tpu.sem_alloc : memref<!tpu.dma_semaphore, #tpu.memory_space<semaphore_mem>>
      %dma_start3A_323 = arith.constant 32 : i32
      %dma_start3A_324 = tpu.memref_slice %arg5[%dma_start3A_323] : memref<512xi32, #tpu.memory_space<vmem>> -> memref<480xi32, #tpu.memory_space<vmem>>
      %dma_start3A_325 = tpu.memref_slice %arg3[%add3A_8] : memref<16384xi32, #tpu.memory_space<hbm>> -> memref<480xi32, #tpu.memory_space<hbm>>
      %dma_start3A_326 = arith.constant 32 : i32
      %dma_start3A_327 = tpu.memref_slice %arg5[%dma_start3A_326] : memref<512xi32, #tpu.memory_space<vmem>> -> memref<480xi32, #tpu.memory_space<vmem>>
      %dma_start3A_328 = tpu.memref_slice %arg3[%add3A_8] : memref<16384xi32, #tpu.memory_space<hbm>> -> memref<480xi32, #tpu.memory_space<hbm>>
      tpu.enqueue_dma source(%dma_start3A_328 : memref<480xi32, #tpu.memory_space<hbm>>) target(%dma_start3A_327 : memref<480xi32, #tpu.memory_space<vmem>>) target_semaphore(%run_scoped3A : memref<!tpu.dma_semaphore, #tpu.memory_space<semaphore_mem>>)
      %dma_wait3A_329 = arith.constant 32 : i32
      %dma_wait3A_330 = tpu.memref_slice %arg5[%dma_wait3A_329] : memref<512xi32, #tpu.memory_space<vmem>> -> memref<480xi32, #tpu.memory_space<vmem>>
      %dma_wait3A_331 = tpu.memref_slice %arg3[%add3A_8] : memref<16384xi32, #tpu.memory_space<hbm>> -> memref<480xi32, #tpu.memory_space<hbm>>
      %dma_wait3A_332 = arith.constant 32 : i32
      %dma_wait3A_333 = tpu.memref_slice %arg5[%dma_wait3A_332] : memref<512xi32, #tpu.memory_space<vmem>> -> memref<480xi32, #tpu.memory_space<vmem>>
      %dma_wait3A_334 = tpu.memref_slice %arg3[%add3A_8] : memref<16384xi32, #tpu.memory_space<hbm>> -> memref<480xi32, #tpu.memory_space<hbm>>
      tpu.wait_dma2 semaphore(%run_scoped3A : memref<!tpu.dma_semaphore, #tpu.memory_space<semaphore_mem>>) src(%dma_wait3A_334 : memref<480xi32, #tpu.memory_space<hbm>>) dst(%dma_wait3A_333 : memref<480xi32, #tpu.memory_space<vmem>>)
      tpu.yield
    }) : () -> ()
    %dma_start3A_9 = arith.constant 32 : i32
    %dma_start3A_10 = tpu.memref_slice %arg5[%dma_start3A_9] : memref<512xi32, #tpu.memory_space<vmem>> -> memref<32xi32, #tpu.memory_space<vmem>>
    %dma_start3A_11 = arith.constant 0 : i32
    %dma_start3A_12 = arith.constant 0 : i32
    %dma_start3A_13 = tpu.memref_slice %arg2[%dma_start3A_11, %dma_start3A_12] : memref<512x1024xf32, #tpu.memory_space<hbm>> -> memref<512x1024xf32, #tpu.memory_space<hbm>>
    tpu.enqueue_indirect_dma source(%dma_start3A_13 : memref<512x1024xf32, #tpu.memory_space<hbm>>) target(%arg7 : memref<32x1024xf32, #tpu.memory_space<vmem>>) offsets(%dma_start3A_10 : memref<32xi32, #tpu.memory_space<vmem>>) semaphore(%arg9 : memref<!tpu.dma_semaphore, #tpu.memory_space<semaphore_mem>>)
    %dma_wait3A = arith.constant 0 : i32
    %dma_wait3A_14 = tpu.memref_slice %arg5[%dma_wait3A] : memref<512xi32, #tpu.memory_space<vmem>> -> memref<32xi32, #tpu.memory_space<vmem>>
    %dma_wait3A_15 = arith.constant 0 : i32
    %dma_wait3A_16 = arith.constant 0 : i32
    %dma_wait3A_17 = tpu.memref_slice %arg2[%dma_wait3A_15, %dma_wait3A_16] : memref<512x1024xf32, #tpu.memory_space<hbm>> -> memref<512x1024xf32, #tpu.memory_space<hbm>>
    tpu.wait_indirect_dma semaphore(%arg9 : memref<!tpu.dma_semaphore, #tpu.memory_space<semaphore_mem>>) src(%dma_wait3A_17 : memref<512x1024xf32, #tpu.memory_space<hbm>>) dst(%arg6 : memref<32x1024xf32, #tpu.memory_space<vmem>>)
    %dma_start3A_18 = arith.constant 64 : i32
    %dma_start3A_19 = tpu.memref_slice %arg5[%dma_start3A_18] : memref<512xi32, #tpu.memory_space<vmem>> -> memref<32xi32, #tpu.memory_space<vmem>>
    %dma_start3A_20 = arith.constant 0 : i32
    %dma_start3A_21 = arith.constant 0 : i32
    %dma_start3A_22 = tpu.memref_slice %arg2[%dma_start3A_20, %dma_start3A_21] : memref<512x1024xf32, #tpu.memory_space<hbm>> -> memref<512x1024xf32, #tpu.memory_space<hbm>>
    tpu.enqueue_indirect_dma source(%dma_start3A_22 : memref<512x1024xf32, #tpu.memory_space<hbm>>) target(%arg8 : memref<32x1024xf32, #tpu.memory_space<vmem>>) offsets(%dma_start3A_19 : memref<32xi32, #tpu.memory_space<vmem>>) semaphore(%arg9 : memref<!tpu.dma_semaphore, #tpu.memory_space<semaphore_mem>>)
    %add3A_23 = arith.constant 0 : i32
    %add3A_24 = arith.addi %mul3A_2, %add3A_23 : i32
    %dma_start3A_25 = arith.constant 0 : i32
    %dma_start3A_26 = tpu.memref_slice %arg4[%add3A_24, %dma_start3A_25] : memref<16384x1024xf32, #tpu.memory_space<hbm>> -> memref<32x1024xf32, #tpu.memory_space<hbm>>
    %dma_start3A_27 = arith.constant 0 : i32
    %dma_start3A_28 = tpu.memref_slice %arg4[%add3A_24, %dma_start3A_27] : memref<16384x1024xf32, #tpu.memory_space<hbm>> -> memref<32x1024xf32, #tpu.memory_space<hbm>>
    tpu.enqueue_dma source(%arg6 : memref<32x1024xf32, #tpu.memory_space<vmem>>) target(%dma_start3A_28 : memref<32x1024xf32, #tpu.memory_space<hbm>>) target_semaphore(%arg10 : memref<!tpu.dma_semaphore, #tpu.memory_space<semaphore_mem>>)
    %dma_wait3A_29 = arith.constant 32 : i32
    %dma_wait3A_30 = tpu.memref_slice %arg5[%dma_wait3A_29] : memref<512xi32, #tpu.memory_space<vmem>> -> memref<32xi32, #tpu.memory_space<vmem>>
    %dma_wait3A_31 = arith.constant 0 : i32
    %dma_wait3A_32 = arith.constant 0 : i32
    %dma_wait3A_33 = tpu.memref_slice %arg2[%dma_wait3A_31, %dma_wait3A_32] : memref<512x1024xf32, #tpu.memory_space<hbm>> -> memref<512x1024xf32, #tpu.memory_space<hbm>>
    tpu.wait_indirect_dma semaphore(%arg9 : memref<!tpu.dma_semaphore, #tpu.memory_space<semaphore_mem>>) src(%dma_wait3A_33 : memref<512x1024xf32, #tpu.memory_space<hbm>>) dst(%arg7 : memref<32x1024xf32, #tpu.memory_space<vmem>>)
    %dma_wait3A_34 = arith.constant 0 : i32
    %dma_wait3A_35 = tpu.memref_slice %arg4[%add3A_24, %dma_wait3A_34] : memref<16384x1024xf32, #tpu.memory_space<hbm>> -> memref<32x1024xf32, #tpu.memory_space<hbm>>
    %dma_wait3A_36 = arith.constant 0 : i32
    %dma_wait3A_37 = tpu.memref_slice %arg4[%add3A_24, %dma_wait3A_36] : memref<16384x1024xf32, #tpu.memory_space<hbm>> -> memref<32x1024xf32, #tpu.memory_space<hbm>>
    tpu.wait_dma2 semaphore(%arg10 : memref<!tpu.dma_semaphore, #tpu.memory_space<semaphore_mem>>) src(%arg6 : memref<32x1024xf32, #tpu.memory_space<vmem>>) dst(%dma_wait3A_37 : memref<32x1024xf32, #tpu.memory_space<hbm>>)
    %dma_start3A_38 = arith.constant 96 : i32
    %dma_start3A_39 = tpu.memref_slice %arg5[%dma_start3A_38] : memref<512xi32, #tpu.memory_space<vmem>> -> memref<32xi32, #tpu.memory_space<vmem>>
    %dma_start3A_40 = arith.constant 0 : i32
    %dma_start3A_41 = arith.constant 0 : i32
    %dma_start3A_42 = tpu.memref_slice %arg2[%dma_start3A_40, %dma_start3A_41] : memref<512x1024xf32, #tpu.memory_space<hbm>> -> memref<512x1024xf32, #tpu.memory_space<hbm>>
    tpu.enqueue_indirect_dma source(%dma_start3A_42 : memref<512x1024xf32, #tpu.memory_space<hbm>>) target(%arg6 : memref<32x1024xf32, #tpu.memory_space<vmem>>) offsets(%dma_start3A_39 : memref<32xi32, #tpu.memory_space<vmem>>) semaphore(%arg9 : memref<!tpu.dma_semaphore, #tpu.memory_space<semaphore_mem>>)
    %add3A_43 = arith.constant 32 : i32
    %add3A_44 = arith.addi %mul3A_2, %add3A_43 : i32
    %dma_start3A_45 = arith.constant 0 : i32
    %dma_start3A_46 = tpu.memref_slice %arg4[%add3A_44, %dma_start3A_45] : memref<16384x1024xf32, #tpu.memory_space<hbm>> -> memref<32x1024xf32, #tpu.memory_space<hbm>>
    %dma_start3A_47 = arith.constant 0 : i32
    %dma_start3A_48 = tpu.memref_slice %arg4[%add3A_44, %dma_start3A_47] : memref<16384x1024xf32, #tpu.memory_space<hbm>> -> memref<32x1024xf32, #tpu.memory_space<hbm>>
    tpu.enqueue_dma source(%arg7 : memref<32x1024xf32, #tpu.memory_space<vmem>>) target(%dma_start3A_48 : memref<32x1024xf32, #tpu.memory_space<hbm>>) target_semaphore(%arg10 : memref<!tpu.dma_semaphore, #tpu.memory_space<semaphore_mem>>)
    %dma_wait3A_49 = arith.constant 64 : i32
    %dma_wait3A_50 = tpu.memref_slice %arg5[%dma_wait3A_49] : memref<512xi32, #tpu.memory_space<vmem>> -> memref<32xi32, #tpu.memory_space<vmem>>
    %dma_wait3A_51 = arith.constant 0 : i32
    %dma_wait3A_52 = arith.constant 0 : i32
    %dma_wait3A_53 = tpu.memref_slice %arg2[%dma_wait3A_51, %dma_wait3A_52] : memref<512x1024xf32, #tpu.memory_space<hbm>> -> memref<512x1024xf32, #tpu.memory_space<hbm>>
    tpu.wait_indirect_dma semaphore(%arg9 : memref<!tpu.dma_semaphore, #tpu.memory_space<semaphore_mem>>) src(%dma_wait3A_53 : memref<512x1024xf32, #tpu.memory_space<hbm>>) dst(%arg8 : memref<32x1024xf32, #tpu.memory_space<vmem>>)
    %dma_wait3A_54 = arith.constant 0 : i32
    %dma_wait3A_55 = tpu.memref_slice %arg4[%add3A_44, %dma_wait3A_54] : memref<16384x1024xf32, #tpu.memory_space<hbm>> -> memref<32x1024xf32, #tpu.memory_space<hbm>>
    %dma_wait3A_56 = arith.constant 0 : i32
    %dma_wait3A_57 = tpu.memref_slice %arg4[%add3A_44, %dma_wait3A_56] : memref<16384x1024xf32, #tpu.memory_space<hbm>> -> memref<32x1024xf32, #tpu.memory_space<hbm>>
    tpu.wait_dma2 semaphore(%arg10 : memref<!tpu.dma_semaphore, #tpu.memory_space<semaphore_mem>>) src(%arg7 : memref<32x1024xf32, #tpu.memory_space<vmem>>) dst(%dma_wait3A_57 : memref<32x1024xf32, #tpu.memory_space<hbm>>)
    %dma_start3A_58 = arith.constant 128 : i32
    %dma_start3A_59 = tpu.memref_slice %arg5[%dma_start3A_58] : memref<512xi32, #tpu.memory_space<vmem>> -> memref<32xi32, #tpu.memory_space<vmem>>
    %dma_start3A_60 = arith.constant 0 : i32
    %dma_start3A_61 = arith.constant 0 : i32
    %dma_start3A_62 = tpu.memref_slice %arg2[%dma_start3A_60, %dma_start3A_61] : memref<512x1024xf32, #tpu.memory_space<hbm>> -> memref<512x1024xf32, #tpu.memory_space<hbm>>
    tpu.enqueue_indirect_dma source(%dma_start3A_62 : memref<512x1024xf32, #tpu.memory_space<hbm>>) target(%arg7 : memref<32x1024xf32, #tpu.memory_space<vmem>>) offsets(%dma_start3A_59 : memref<32xi32, #tpu.memory_space<vmem>>) semaphore(%arg9 : memref<!tpu.dma_semaphore, #tpu.memory_space<semaphore_mem>>)
    %add3A_63 = arith.constant 64 : i32
    %add3A_64 = arith.addi %mul3A_2, %add3A_63 : i32
    %dma_start3A_65 = arith.constant 0 : i32
    %dma_start3A_66 = tpu.memref_slice %arg4[%add3A_64, %dma_start3A_65] : memref<16384x1024xf32, #tpu.memory_space<hbm>> -> memref<32x1024xf32, #tpu.memory_space<hbm>>
    %dma_start3A_67 = arith.constant 0 : i32
    %dma_start3A_68 = tpu.memref_slice %arg4[%add3A_64, %dma_start3A_67] : memref<16384x1024xf32, #tpu.memory_space<hbm>> -> memref<32x1024xf32, #tpu.memory_space<hbm>>
    tpu.enqueue_dma source(%arg8 : memref<32x1024xf32, #tpu.memory_space<vmem>>) target(%dma_start3A_68 : memref<32x1024xf32, #tpu.memory_space<hbm>>) target_semaphore(%arg10 : memref<!tpu.dma_semaphore, #tpu.memory_space<semaphore_mem>>)
    %dma_wait3A_69 = arith.constant 96 : i32
    %dma_wait3A_70 = tpu.memref_slice %arg5[%dma_wait3A_69] : memref<512xi32, #tpu.memory_space<vmem>> -> memref<32xi32, #tpu.memory_space<vmem>>
    %dma_wait3A_71 = arith.constant 0 : i32
    %dma_wait3A_72 = arith.constant 0 : i32
    %dma_wait3A_73 = tpu.memref_slice %arg2[%dma_wait3A_71, %dma_wait3A_72] : memref<512x1024xf32, #tpu.memory_space<hbm>> -> memref<512x1024xf32, #tpu.memory_space<hbm>>
    tpu.wait_indirect_dma semaphore(%arg9 : memref<!tpu.dma_semaphore, #tpu.memory_space<semaphore_mem>>) src(%dma_wait3A_73 : memref<512x1024xf32, #tpu.memory_space<hbm>>) dst(%arg6 : memref<32x1024xf32, #tpu.memory_space<vmem>>)
    %dma_wait3A_74 = arith.constant 0 : i32
    %dma_wait3A_75 = tpu.memref_slice %arg4[%add3A_64, %dma_wait3A_74] : memref<16384x1024xf32, #tpu.memory_space<hbm>> -> memref<32x1024xf32, #tpu.memory_space<hbm>>
    %dma_wait3A_76 = arith.constant 0 : i32
    %dma_wait3A_77 = tpu.memref_slice %arg4[%add3A_64, %dma_wait3A_76] : memref<16384x1024xf32, #tpu.memory_space<hbm>> -> memref<32x1024xf32, #tpu.memory_space<hbm>>
    tpu.wait_dma2 semaphore(%arg10 : memref<!tpu.dma_semaphore, #tpu.memory_space<semaphore_mem>>) src(%arg8 : memref<32x1024xf32, #tpu.memory_space<vmem>>) dst(%dma_wait3A_77 : memref<32x1024xf32, #tpu.memory_space<hbm>>)
    %dma_start3A_78 = arith.constant 160 : i32
    %dma_start3A_79 = tpu.memref_slice %arg5[%dma_start3A_78] : memref<512xi32, #tpu.memory_space<vmem>> -> memref<32xi32, #tpu.memory_space<vmem>>
    %dma_start3A_80 = arith.constant 0 : i32
    %dma_start3A_81 = arith.constant 0 : i32
    %dma_start3A_82 = tpu.memref_slice %arg2[%dma_start3A_80, %dma_start3A_81] : memref<512x1024xf32, #tpu.memory_space<hbm>> -> memref<512x1024xf32, #tpu.memory_space<hbm>>
    tpu.enqueue_indirect_dma source(%dma_start3A_82 : memref<512x1024xf32, #tpu.memory_space<hbm>>) target(%arg8 : memref<32x1024xf32, #tpu.memory_space<vmem>>) offsets(%dma_start3A_79 : memref<32xi32, #tpu.memory_space<vmem>>) semaphore(%arg9 : memref<!tpu.dma_semaphore, #tpu.memory_space<semaphore_mem>>)
    %add3A_83 = arith.constant 96 : i32
    %add3A_84 = arith.addi %mul3A_2, %add3A_83 : i32
    %dma_start3A_85 = arith.constant 0 : i32
    %dma_start3A_86 = tpu.memref_slice %arg4[%add3A_84, %dma_start3A_85] : memref<16384x1024xf32, #tpu.memory_space<hbm>> -> memref<32x1024xf32, #tpu.memory_space<hbm>>
    %dma_start3A_87 = arith.constant 0 : i32
    %dma_start3A_88 = tpu.memref_slice %arg4[%add3A_84, %dma_start3A_87] : memref<16384x1024xf32, #tpu.memory_space<hbm>> -> memref<32x1024xf32, #tpu.memory_space<hbm>>
    tpu.enqueue_dma source(%arg6 : memref<32x1024xf32, #tpu.memory_space<vmem>>) target(%dma_start3A_88 : memref<32x1024xf32, #tpu.memory_space<hbm>>) target_semaphore(%arg10 : memref<!tpu.dma_semaphore, #tpu.memory_space<semaphore_mem>>)
    %dma_wait3A_89 = arith.constant 128 : i32
    %dma_wait3A_90 = tpu.memref_slice %arg5[%dma_wait3A_89] : memref<512xi32, #tpu.memory_space<vmem>> -> memref<32xi32, #tpu.memory_space<vmem>>
    %dma_wait3A_91 = arith.constant 0 : i32
    %dma_wait3A_92 = arith.constant 0 : i32
    %dma_wait3A_93 = tpu.memref_slice %arg2[%dma_wait3A_91, %dma_wait3A_92] : memref<512x1024xf32, #tpu.memory_space<hbm>> -> memref<512x1024xf32, #tpu.memory_space<hbm>>
    tpu.wait_indirect_dma semaphore(%arg9 : memref<!tpu.dma_semaphore, #tpu.memory_space<semaphore_mem>>) src(%dma_wait3A_93 : memref<512x1024xf32, #tpu.memory_space<hbm>>) dst(%arg7 : memref<32x1024xf32, #tpu.memory_space<vmem>>)
    %dma_wait3A_94 = arith.constant 0 : i32
    %dma_wait3A_95 = tpu.memref_slice %arg4[%add3A_84, %dma_wait3A_94] : memref<16384x1024xf32, #tpu.memory_space<hbm>> -> memref<32x1024xf32, #tpu.memory_space<hbm>>
    %dma_wait3A_96 = arith.constant 0 : i32
    %dma_wait3A_97 = tpu.memref_slice %arg4[%add3A_84, %dma_wait3A_96] : memref<16384x1024xf32, #tpu.memory_space<hbm>> -> memref<32x1024xf32, #tpu.memory_space<hbm>>
    tpu.wait_dma2 semaphore(%arg10 : memref<!tpu.dma_semaphore, #tpu.memory_space<semaphore_mem>>) src(%arg6 : memref<32x1024xf32, #tpu.memory_space<vmem>>) dst(%dma_wait3A_97 : memref<32x1024xf32, #tpu.memory_space<hbm>>)
    %dma_start3A_98 = arith.constant 192 : i32
    %dma_start3A_99 = tpu.memref_slice %arg5[%dma_start3A_98] : memref<512xi32, #tpu.memory_space<vmem>> -> memref<32xi32, #tpu.memory_space<vmem>>
    %dma_start3A_100 = arith.constant 0 : i32
    %dma_start3A_101 = arith.constant 0 : i32
    %dma_start3A_102 = tpu.memref_slice %arg2[%dma_start3A_100, %dma_start3A_101] : memref<512x1024xf32, #tpu.memory_space<hbm>> -> memref<512x1024xf32, #tpu.memory_space<hbm>>
    tpu.enqueue_indirect_dma source(%dma_start3A_102 : memref<512x1024xf32, #tpu.memory_space<hbm>>) target(%arg6 : memref<32x1024xf32, #tpu.memory_space<vmem>>) offsets(%dma_start3A_99 : memref<32xi32, #tpu.memory_space<vmem>>) semaphore(%arg9 : memref<!tpu.dma_semaphore, #tpu.memory_space<semaphore_mem>>)
    %add3A_103 = arith.constant 128 : i32
    %add3A_104 = arith.addi %mul3A_2, %add3A_103 : i32
    %dma_start3A_105 = arith.constant 0 : i32
    %dma_start3A_106 = tpu.memref_slice %arg4[%add3A_104, %dma_start3A_105] : memref<16384x1024xf32, #tpu.memory_space<hbm>> -> memref<32x1024xf32, #tpu.memory_space<hbm>>
    %dma_start3A_107 = arith.constant 0 : i32
    %dma_start3A_108 = tpu.memref_slice %arg4[%add3A_104, %dma_start3A_107] : memref<16384x1024xf32, #tpu.memory_space<hbm>> -> memref<32x1024xf32, #tpu.memory_space<hbm>>
    tpu.enqueue_dma source(%arg7 : memref<32x1024xf32, #tpu.memory_space<vmem>>) target(%dma_start3A_108 : memref<32x1024xf32, #tpu.memory_space<hbm>>) target_semaphore(%arg10 : memref<!tpu.dma_semaphore, #tpu.memory_space<semaphore_mem>>)
    %dma_wait3A_109 = arith.constant 160 : i32
    %dma_wait3A_110 = tpu.memref_slice %arg5[%dma_wait3A_109] : memref<512xi32, #tpu.memory_space<vmem>> -> memref<32xi32, #tpu.memory_space<vmem>>
    %dma_wait3A_111 = arith.constant 0 : i32
    %dma_wait3A_112 = arith.constant 0 : i32
    %dma_wait3A_113 = tpu.memref_slice %arg2[%dma_wait3A_111, %dma_wait3A_112] : memref<512x1024xf32, #tpu.memory_space<hbm>> -> memref<512x1024xf32, #tpu.memory_space<hbm>>
    tpu.wait_indirect_dma semaphore(%arg9 : memref<!tpu.dma_semaphore, #tpu.memory_space<semaphore_mem>>) src(%dma_wait3A_113 : memref<512x1024xf32, #tpu.memory_space<hbm>>) dst(%arg8 : memref<32x1024xf32, #tpu.memory_space<vmem>>)
    %dma_wait3A_114 = arith.constant 0 : i32
    %dma_wait3A_115 = tpu.memref_slice %arg4[%add3A_104, %dma_wait3A_114] : memref<16384x1024xf32, #tpu.memory_space<hbm>> -> memref<32x1024xf32, #tpu.memory_space<hbm>>
    %dma_wait3A_116 = arith.constant 0 : i32
    %dma_wait3A_117 = tpu.memref_slice %arg4[%add3A_104, %dma_wait3A_116] : memref<16384x1024xf32, #tpu.memory_space<hbm>> -> memref<32x1024xf32, #tpu.memory_space<hbm>>
    tpu.wait_dma2 semaphore(%arg10 : memref<!tpu.dma_semaphore, #tpu.memory_space<semaphore_mem>>) src(%arg7 : memref<32x1024xf32, #tpu.memory_space<vmem>>) dst(%dma_wait3A_117 : memref<32x1024xf32, #tpu.memory_space<hbm>>)
    %dma_start3A_118 = arith.constant 224 : i32
    %dma_start3A_119 = tpu.memref_slice %arg5[%dma_start3A_118] : memref<512xi32, #tpu.memory_space<vmem>> -> memref<32xi32, #tpu.memory_space<vmem>>
    %dma_start3A_120 = arith.constant 0 : i32
    %dma_start3A_121 = arith.constant 0 : i32
    %dma_start3A_122 = tpu.memref_slice %arg2[%dma_start3A_120, %dma_start3A_121] : memref<512x1024xf32, #tpu.memory_space<hbm>> -> memref<512x1024xf32, #tpu.memory_space<hbm>>
    tpu.enqueue_indirect_dma source(%dma_start3A_122 : memref<512x1024xf32, #tpu.memory_space<hbm>>) target(%arg7 : memref<32x1024xf32, #tpu.memory_space<vmem>>) offsets(%dma_start3A_119 : memref<32xi32, #tpu.memory_space<vmem>>) semaphore(%arg9 : memref<!tpu.dma_semaphore, #tpu.memory_space<semaphore_mem>>)
    %add3A_123 = arith.constant 160 : i32
    %add3A_124 = arith.addi %mul3A_2, %add3A_123 : i32
    %dma_start3A_125 = arith.constant 0 : i32
    %dma_start3A_126 = tpu.memref_slice %arg4[%add3A_124, %dma_start3A_125] : memref<16384x1024xf32, #tpu.memory_space<hbm>> -> memref<32x1024xf32, #tpu.memory_space<hbm>>
    %dma_start3A_127 = arith.constant 0 : i32
    %dma_start3A_128 = tpu.memref_slice %arg4[%add3A_124, %dma_start3A_127] : memref<16384x1024xf32, #tpu.memory_space<hbm>> -> memref<32x1024xf32, #tpu.memory_space<hbm>>
    tpu.enqueue_dma source(%arg8 : memref<32x1024xf32, #tpu.memory_space<vmem>>) target(%dma_start3A_128 : memref<32x1024xf32, #tpu.memory_space<hbm>>) target_semaphore(%arg10 : memref<!tpu.dma_semaphore, #tpu.memory_space<semaphore_mem>>)
    %dma_wait3A_129 = arith.constant 192 : i32
    %dma_wait3A_130 = tpu.memref_slice %arg5[%dma_wait3A_129] : memref<512xi32, #tpu.memory_space<vmem>> -> memref<32xi32, #tpu.memory_space<vmem>>
    %dma_wait3A_131 = arith.constant 0 : i32
    %dma_wait3A_132 = arith.constant 0 : i32
    %dma_wait3A_133 = tpu.memref_slice %arg2[%dma_wait3A_131, %dma_wait3A_132] : memref<512x1024xf32, #tpu.memory_space<hbm>> -> memref<512x1024xf32, #tpu.memory_space<hbm>>
    tpu.wait_indirect_dma semaphore(%arg9 : memref<!tpu.dma_semaphore, #tpu.memory_space<semaphore_mem>>) src(%dma_wait3A_133 : memref<512x1024xf32, #tpu.memory_space<hbm>>) dst(%arg6 : memref<32x1024xf32, #tpu.memory_space<vmem>>)
    %dma_wait3A_134 = arith.constant 0 : i32
    %dma_wait3A_135 = tpu.memref_slice %arg4[%add3A_124, %dma_wait3A_134] : memref<16384x1024xf32, #tpu.memory_space<hbm>> -> memref<32x1024xf32, #tpu.memory_space<hbm>>
    %dma_wait3A_136 = arith.constant 0 : i32
    %dma_wait3A_137 = tpu.memref_slice %arg4[%add3A_124, %dma_wait3A_136] : memref<16384x1024xf32, #tpu.memory_space<hbm>> -> memref<32x1024xf32, #tpu.memory_space<hbm>>
    tpu.wait_dma2 semaphore(%arg10 : memref<!tpu.dma_semaphore, #tpu.memory_space<semaphore_mem>>) src(%arg8 : memref<32x1024xf32, #tpu.memory_space<vmem>>) dst(%dma_wait3A_137 : memref<32x1024xf32, #tpu.memory_space<hbm>>)
    %dma_start3A_138 = arith.constant 256 : i32
    %dma_start3A_139 = tpu.memref_slice %arg5[%dma_start3A_138] : memref<512xi32, #tpu.memory_space<vmem>> -> memref<32xi32, #tpu.memory_space<vmem>>
    %dma_start3A_140 = arith.constant 0 : i32
    %dma_start3A_141 = arith.constant 0 : i32
    %dma_start3A_142 = tpu.memref_slice %arg2[%dma_start3A_140, %dma_start3A_141] : memref<512x1024xf32, #tpu.memory_space<hbm>> -> memref<512x1024xf32, #tpu.memory_space<hbm>>
    tpu.enqueue_indirect_dma source(%dma_start3A_142 : memref<512x1024xf32, #tpu.memory_space<hbm>>) target(%arg8 : memref<32x1024xf32, #tpu.memory_space<vmem>>) offsets(%dma_start3A_139 : memref<32xi32, #tpu.memory_space<vmem>>) semaphore(%arg9 : memref<!tpu.dma_semaphore, #tpu.memory_space<semaphore_mem>>)
    %add3A_143 = arith.constant 192 : i32
    %add3A_144 = arith.addi %mul3A_2, %add3A_143 : i32
    %dma_start3A_145 = arith.constant 0 : i32
    %dma_start3A_146 = tpu.memref_slice %arg4[%add3A_144, %dma_start3A_145] : memref<16384x1024xf32, #tpu.memory_space<hbm>> -> memref<32x1024xf32, #tpu.memory_space<hbm>>
    %dma_start3A_147 = arith.constant 0 : i32
    %dma_start3A_148 = tpu.memref_slice %arg4[%add3A_144, %dma_start3A_147] : memref<16384x1024xf32, #tpu.memory_space<hbm>> -> memref<32x1024xf32, #tpu.memory_space<hbm>>
    tpu.enqueue_dma source(%arg6 : memref<32x1024xf32, #tpu.memory_space<vmem>>) target(%dma_start3A_148 : memref<32x1024xf32, #tpu.memory_space<hbm>>) target_semaphore(%arg10 : memref<!tpu.dma_semaphore, #tpu.memory_space<semaphore_mem>>)
    %dma_wait3A_149 = arith.constant 224 : i32
    %dma_wait3A_150 = tpu.memref_slice %arg5[%dma_wait3A_149] : memref<512xi32, #tpu.memory_space<vmem>> -> memref<32xi32, #tpu.memory_space<vmem>>
    %dma_wait3A_151 = arith.constant 0 : i32
    %dma_wait3A_152 = arith.constant 0 : i32
    %dma_wait3A_153 = tpu.memref_slice %arg2[%dma_wait3A_151, %dma_wait3A_152] : memref<512x1024xf32, #tpu.memory_space<hbm>> -> memref<512x1024xf32, #tpu.memory_space<hbm>>
    tpu.wait_indirect_dma semaphore(%arg9 : memref<!tpu.dma_semaphore, #tpu.memory_space<semaphore_mem>>) src(%dma_wait3A_153 : memref<512x1024xf32, #tpu.memory_space<hbm>>) dst(%arg7 : memref<32x1024xf32, #tpu.memory_space<vmem>>)
    %dma_wait3A_154 = arith.constant 0 : i32
    %dma_wait3A_155 = tpu.memref_slice %arg4[%add3A_144, %dma_wait3A_154] : memref<16384x1024xf32, #tpu.memory_space<hbm>> -> memref<32x1024xf32, #tpu.memory_space<hbm>>
    %dma_wait3A_156 = arith.constant 0 : i32
    %dma_wait3A_157 = tpu.memref_slice %arg4[%add3A_144, %dma_wait3A_156] : memref<16384x1024xf32, #tpu.memory_space<hbm>> -> memref<32x1024xf32, #tpu.memory_space<hbm>>
    tpu.wait_dma2 semaphore(%arg10 : memref<!tpu.dma_semaphore, #tpu.memory_space<semaphore_mem>>) src(%arg6 : memref<32x1024xf32, #tpu.memory_space<vmem>>) dst(%dma_wait3A_157 : memref<32x1024xf32, #tpu.memory_space<hbm>>)
    %dma_start3A_158 = arith.constant 288 : i32
    %dma_start3A_159 = tpu.memref_slice %arg5[%dma_start3A_158] : memref<512xi32, #tpu.memory_space<vmem>> -> memref<32xi32, #tpu.memory_space<vmem>>
    %dma_start3A_160 = arith.constant 0 : i32
    %dma_start3A_161 = arith.constant 0 : i32
    %dma_start3A_162 = tpu.memref_slice %arg2[%dma_start3A_160, %dma_start3A_161] : memref<512x1024xf32, #tpu.memory_space<hbm>> -> memref<512x1024xf32, #tpu.memory_space<hbm>>
    tpu.enqueue_indirect_dma source(%dma_start3A_162 : memref<512x1024xf32, #tpu.memory_space<hbm>>) target(%arg6 : memref<32x1024xf32, #tpu.memory_space<vmem>>) offsets(%dma_start3A_159 : memref<32xi32, #tpu.memory_space<vmem>>) semaphore(%arg9 : memref<!tpu.dma_semaphore, #tpu.memory_space<semaphore_mem>>)
    %add3A_163 = arith.constant 224 : i32
    %add3A_164 = arith.addi %mul3A_2, %add3A_163 : i32
    %dma_start3A_165 = arith.constant 0 : i32
    %dma_start3A_166 = tpu.memref_slice %arg4[%add3A_164, %dma_start3A_165] : memref<16384x1024xf32, #tpu.memory_space<hbm>> -> memref<32x1024xf32, #tpu.memory_space<hbm>>
    %dma_start3A_167 = arith.constant 0 : i32
    %dma_start3A_168 = tpu.memref_slice %arg4[%add3A_164, %dma_start3A_167] : memref<16384x1024xf32, #tpu.memory_space<hbm>> -> memref<32x1024xf32, #tpu.memory_space<hbm>>
    tpu.enqueue_dma source(%arg7 : memref<32x1024xf32, #tpu.memory_space<vmem>>) target(%dma_start3A_168 : memref<32x1024xf32, #tpu.memory_space<hbm>>) target_semaphore(%arg10 : memref<!tpu.dma_semaphore, #tpu.memory_space<semaphore_mem>>)
    %dma_wait3A_169 = arith.constant 256 : i32
    %dma_wait3A_170 = tpu.memref_slice %arg5[%dma_wait3A_169] : memref<512xi32, #tpu.memory_space<vmem>> -> memref<32xi32, #tpu.memory_space<vmem>>
    %dma_wait3A_171 = arith.constant 0 : i32
    %dma_wait3A_172 = arith.constant 0 : i32
    %dma_wait3A_173 = tpu.memref_slice %arg2[%dma_wait3A_171, %dma_wait3A_172] : memref<512x1024xf32, #tpu.memory_space<hbm>> -> memref<512x1024xf32, #tpu.memory_space<hbm>>
    tpu.wait_indirect_dma semaphore(%arg9 : memref<!tpu.dma_semaphore, #tpu.memory_space<semaphore_mem>>) src(%dma_wait3A_173 : memref<512x1024xf32, #tpu.memory_space<hbm>>) dst(%arg8 : memref<32x1024xf32, #tpu.memory_space<vmem>>)
    %dma_wait3A_174 = arith.constant 0 : i32
    %dma_wait3A_175 = tpu.memref_slice %arg4[%add3A_164, %dma_wait3A_174] : memref<16384x1024xf32, #tpu.memory_space<hbm>> -> memref<32x1024xf32, #tpu.memory_space<hbm>>
    %dma_wait3A_176 = arith.constant 0 : i32
    %dma_wait3A_177 = tpu.memref_slice %arg4[%add3A_164, %dma_wait3A_176] : memref<16384x1024xf32, #tpu.memory_space<hbm>> -> memref<32x1024xf32, #tpu.memory_space<hbm>>
    tpu.wait_dma2 semaphore(%arg10 : memref<!tpu.dma_semaphore, #tpu.memory_space<semaphore_mem>>) src(%arg7 : memref<32x1024xf32, #tpu.memory_space<vmem>>) dst(%dma_wait3A_177 : memref<32x1024xf32, #tpu.memory_space<hbm>>)
    %dma_start3A_178 = arith.constant 320 : i32
    %dma_start3A_179 = tpu.memref_slice %arg5[%dma_start3A_178] : memref<512xi32, #tpu.memory_space<vmem>> -> memref<32xi32, #tpu.memory_space<vmem>>
    %dma_start3A_180 = arith.constant 0 : i32
    %dma_start3A_181 = arith.constant 0 : i32
    %dma_start3A_182 = tpu.memref_slice %arg2[%dma_start3A_180, %dma_start3A_181] : memref<512x1024xf32, #tpu.memory_space<hbm>> -> memref<512x1024xf32, #tpu.memory_space<hbm>>
    tpu.enqueue_indirect_dma source(%dma_start3A_182 : memref<512x1024xf32, #tpu.memory_space<hbm>>) target(%arg7 : memref<32x1024xf32, #tpu.memory_space<vmem>>) offsets(%dma_start3A_179 : memref<32xi32, #tpu.memory_space<vmem>>) semaphore(%arg9 : memref<!tpu.dma_semaphore, #tpu.memory_space<semaphore_mem>>)
    %add3A_183 = arith.constant 256 : i32
    %add3A_184 = arith.addi %mul3A_2, %add3A_183 : i32
    %dma_start3A_185 = arith.constant 0 : i32
    %dma_start3A_186 = tpu.memref_slice %arg4[%add3A_184, %dma_start3A_185] : memref<16384x1024xf32, #tpu.memory_space<hbm>> -> memref<32x1024xf32, #tpu.memory_space<hbm>>
    %dma_start3A_187 = arith.constant 0 : i32
    %dma_start3A_188 = tpu.memref_slice %arg4[%add3A_184, %dma_start3A_187] : memref<16384x1024xf32, #tpu.memory_space<hbm>> -> memref<32x1024xf32, #tpu.memory_space<hbm>>
    tpu.enqueue_dma source(%arg8 : memref<32x1024xf32, #tpu.memory_space<vmem>>) target(%dma_start3A_188 : memref<32x1024xf32, #tpu.memory_space<hbm>>) target_semaphore(%arg10 : memref<!tpu.dma_semaphore, #tpu.memory_space<semaphore_mem>>)
    %dma_wait3A_189 = arith.constant 288 : i32
    %dma_wait3A_190 = tpu.memref_slice %arg5[%dma_wait3A_189] : memref<512xi32, #tpu.memory_space<vmem>> -> memref<32xi32, #tpu.memory_space<vmem>>
    %dma_wait3A_191 = arith.constant 0 : i32
    %dma_wait3A_192 = arith.constant 0 : i32
    %dma_wait3A_193 = tpu.memref_slice %arg2[%dma_wait3A_191, %dma_wait3A_192] : memref<512x1024xf32, #tpu.memory_space<hbm>> -> memref<512x1024xf32, #tpu.memory_space<hbm>>
    tpu.wait_indirect_dma semaphore(%arg9 : memref<!tpu.dma_semaphore, #tpu.memory_space<semaphore_mem>>) src(%dma_wait3A_193 : memref<512x1024xf32, #tpu.memory_space<hbm>>) dst(%arg6 : memref<32x1024xf32, #tpu.memory_space<vmem>>)
    %dma_wait3A_194 = arith.constant 0 : i32
    %dma_wait3A_195 = tpu.memref_slice %arg4[%add3A_184, %dma_wait3A_194] : memref<16384x1024xf32, #tpu.memory_space<hbm>> -> memref<32x1024xf32, #tpu.memory_space<hbm>>
    %dma_wait3A_196 = arith.constant 0 : i32
    %dma_wait3A_197 = tpu.memref_slice %arg4[%add3A_184, %dma_wait3A_196] : memref<16384x1024xf32, #tpu.memory_space<hbm>> -> memref<32x1024xf32, #tpu.memory_space<hbm>>
    tpu.wait_dma2 semaphore(%arg10 : memref<!tpu.dma_semaphore, #tpu.memory_space<semaphore_mem>>) src(%arg8 : memref<32x1024xf32, #tpu.memory_space<vmem>>) dst(%dma_wait3A_197 : memref<32x1024xf32, #tpu.memory_space<hbm>>)
    %dma_start3A_198 = arith.constant 352 : i32
    %dma_start3A_199 = tpu.memref_slice %arg5[%dma_start3A_198] : memref<512xi32, #tpu.memory_space<vmem>> -> memref<32xi32, #tpu.memory_space<vmem>>
    %dma_start3A_200 = arith.constant 0 : i32
    %dma_start3A_201 = arith.constant 0 : i32
    %dma_start3A_202 = tpu.memref_slice %arg2[%dma_start3A_200, %dma_start3A_201] : memref<512x1024xf32, #tpu.memory_space<hbm>> -> memref<512x1024xf32, #tpu.memory_space<hbm>>
    tpu.enqueue_indirect_dma source(%dma_start3A_202 : memref<512x1024xf32, #tpu.memory_space<hbm>>) target(%arg8 : memref<32x1024xf32, #tpu.memory_space<vmem>>) offsets(%dma_start3A_199 : memref<32xi32, #tpu.memory_space<vmem>>) semaphore(%arg9 : memref<!tpu.dma_semaphore, #tpu.memory_space<semaphore_mem>>)
    %add3A_203 = arith.constant 288 : i32
    %add3A_204 = arith.addi %mul3A_2, %add3A_203 : i32
    %dma_start3A_205 = arith.constant 0 : i32
    %dma_start3A_206 = tpu.memref_slice %arg4[%add3A_204, %dma_start3A_205] : memref<16384x1024xf32, #tpu.memory_space<hbm>> -> memref<32x1024xf32, #tpu.memory_space<hbm>>
    %dma_start3A_207 = arith.constant 0 : i32
    %dma_start3A_208 = tpu.memref_slice %arg4[%add3A_204, %dma_start3A_207] : memref<16384x1024xf32, #tpu.memory_space<hbm>> -> memref<32x1024xf32, #tpu.memory_space<hbm>>
    tpu.enqueue_dma source(%arg6 : memref<32x1024xf32, #tpu.memory_space<vmem>>) target(%dma_start3A_208 : memref<32x1024xf32, #tpu.memory_space<hbm>>) target_semaphore(%arg10 : memref<!tpu.dma_semaphore, #tpu.memory_space<semaphore_mem>>)
    %dma_wait3A_209 = arith.constant 320 : i32
    %dma_wait3A_210 = tpu.memref_slice %arg5[%dma_wait3A_209] : memref<512xi32, #tpu.memory_space<vmem>> -> memref<32xi32, #tpu.memory_space<vmem>>
    %dma_wait3A_211 = arith.constant 0 : i32
    %dma_wait3A_212 = arith.constant 0 : i32
    %dma_wait3A_213 = tpu.memref_slice %arg2[%dma_wait3A_211, %dma_wait3A_212] : memref<512x1024xf32, #tpu.memory_space<hbm>> -> memref<512x1024xf32, #tpu.memory_space<hbm>>
    tpu.wait_indirect_dma semaphore(%arg9 : memref<!tpu.dma_semaphore, #tpu.memory_space<semaphore_mem>>) src(%dma_wait3A_213 : memref<512x1024xf32, #tpu.memory_space<hbm>>) dst(%arg7 : memref<32x1024xf32, #tpu.memory_space<vmem>>)
    %dma_wait3A_214 = arith.constant 0 : i32
    %dma_wait3A_215 = tpu.memref_slice %arg4[%add3A_204, %dma_wait3A_214] : memref<16384x1024xf32, #tpu.memory_space<hbm>> -> memref<32x1024xf32, #tpu.memory_space<hbm>>
    %dma_wait3A_216 = arith.constant 0 : i32
    %dma_wait3A_217 = tpu.memref_slice %arg4[%add3A_204, %dma_wait3A_216] : memref<16384x1024xf32, #tpu.memory_space<hbm>> -> memref<32x1024xf32, #tpu.memory_space<hbm>>
    tpu.wait_dma2 semaphore(%arg10 : memref<!tpu.dma_semaphore, #tpu.memory_space<semaphore_mem>>) src(%arg6 : memref<32x1024xf32, #tpu.memory_space<vmem>>) dst(%dma_wait3A_217 : memref<32x1024xf32, #tpu.memory_space<hbm>>)
    %dma_start3A_218 = arith.constant 384 : i32
    %dma_start3A_219 = tpu.memref_slice %arg5[%dma_start3A_218] : memref<512xi32, #tpu.memory_space<vmem>> -> memref<32xi32, #tpu.memory_space<vmem>>
    %dma_start3A_220 = arith.constant 0 : i32
    %dma_start3A_221 = arith.constant 0 : i32
    %dma_start3A_222 = tpu.memref_slice %arg2[%dma_start3A_220, %dma_start3A_221] : memref<512x1024xf32, #tpu.memory_space<hbm>> -> memref<512x1024xf32, #tpu.memory_space<hbm>>
    tpu.enqueue_indirect_dma source(%dma_start3A_222 : memref<512x1024xf32, #tpu.memory_space<hbm>>) target(%arg6 : memref<32x1024xf32, #tpu.memory_space<vmem>>) offsets(%dma_start3A_219 : memref<32xi32, #tpu.memory_space<vmem>>) semaphore(%arg9 : memref<!tpu.dma_semaphore, #tpu.memory_space<semaphore_mem>>)
    %add3A_223 = arith.constant 320 : i32
    %add3A_224 = arith.addi %mul3A_2, %add3A_223 : i32
    %dma_start3A_225 = arith.constant 0 : i32
    %dma_start3A_226 = tpu.memref_slice %arg4[%add3A_224, %dma_start3A_225] : memref<16384x1024xf32, #tpu.memory_space<hbm>> -> memref<32x1024xf32, #tpu.memory_space<hbm>>
    %dma_start3A_227 = arith.constant 0 : i32
    %dma_start3A_228 = tpu.memref_slice %arg4[%add3A_224, %dma_start3A_227] : memref<16384x1024xf32, #tpu.memory_space<hbm>> -> memref<32x1024xf32, #tpu.memory_space<hbm>>
    tpu.enqueue_dma source(%arg7 : memref<32x1024xf32, #tpu.memory_space<vmem>>) target(%dma_start3A_228 : memref<32x1024xf32, #tpu.memory_space<hbm>>) target_semaphore(%arg10 : memref<!tpu.dma_semaphore, #tpu.memory_space<semaphore_mem>>)
    %dma_wait3A_229 = arith.constant 352 : i32
    %dma_wait3A_230 = tpu.memref_slice %arg5[%dma_wait3A_229] : memref<512xi32, #tpu.memory_space<vmem>> -> memref<32xi32, #tpu.memory_space<vmem>>
    %dma_wait3A_231 = arith.constant 0 : i32
    %dma_wait3A_232 = arith.constant 0 : i32
    %dma_wait3A_233 = tpu.memref_slice %arg2[%dma_wait3A_231, %dma_wait3A_232] : memref<512x1024xf32, #tpu.memory_space<hbm>> -> memref<512x1024xf32, #tpu.memory_space<hbm>>
    tpu.wait_indirect_dma semaphore(%arg9 : memref<!tpu.dma_semaphore, #tpu.memory_space<semaphore_mem>>) src(%dma_wait3A_233 : memref<512x1024xf32, #tpu.memory_space<hbm>>) dst(%arg8 : memref<32x1024xf32, #tpu.memory_space<vmem>>)
    %dma_wait3A_234 = arith.constant 0 : i32
    %dma_wait3A_235 = tpu.memref_slice %arg4[%add3A_224, %dma_wait3A_234] : memref<16384x1024xf32, #tpu.memory_space<hbm>> -> memref<32x1024xf32, #tpu.memory_space<hbm>>
    %dma_wait3A_236 = arith.constant 0 : i32
    %dma_wait3A_237 = tpu.memref_slice %arg4[%add3A_224, %dma_wait3A_236] : memref<16384x1024xf32, #tpu.memory_space<hbm>> -> memref<32x1024xf32, #tpu.memory_space<hbm>>
    tpu.wait_dma2 semaphore(%arg10 : memref<!tpu.dma_semaphore, #tpu.memory_space<semaphore_mem>>) src(%arg7 : memref<32x1024xf32, #tpu.memory_space<vmem>>) dst(%dma_wait3A_237 : memref<32x1024xf32, #tpu.memory_space<hbm>>)
    %dma_start3A_238 = arith.constant 416 : i32
    %dma_start3A_239 = tpu.memref_slice %arg5[%dma_start3A_238] : memref<512xi32, #tpu.memory_space<vmem>> -> memref<32xi32, #tpu.memory_space<vmem>>
    %dma_start3A_240 = arith.constant 0 : i32
    %dma_start3A_241 = arith.constant 0 : i32
    %dma_start3A_242 = tpu.memref_slice %arg2[%dma_start3A_240, %dma_start3A_241] : memref<512x1024xf32, #tpu.memory_space<hbm>> -> memref<512x1024xf32, #tpu.memory_space<hbm>>
    tpu.enqueue_indirect_dma source(%dma_start3A_242 : memref<512x1024xf32, #tpu.memory_space<hbm>>) target(%arg7 : memref<32x1024xf32, #tpu.memory_space<vmem>>) offsets(%dma_start3A_239 : memref<32xi32, #tpu.memory_space<vmem>>) semaphore(%arg9 : memref<!tpu.dma_semaphore, #tpu.memory_space<semaphore_mem>>)
    %add3A_243 = arith.constant 352 : i32
    %add3A_244 = arith.addi %mul3A_2, %add3A_243 : i32
    %dma_start3A_245 = arith.constant 0 : i32
    %dma_start3A_246 = tpu.memref_slice %arg4[%add3A_244, %dma_start3A_245] : memref<16384x1024xf32, #tpu.memory_space<hbm>> -> memref<32x1024xf32, #tpu.memory_space<hbm>>
    %dma_start3A_247 = arith.constant 0 : i32
    %dma_start3A_248 = tpu.memref_slice %arg4[%add3A_244, %dma_start3A_247] : memref<16384x1024xf32, #tpu.memory_space<hbm>> -> memref<32x1024xf32, #tpu.memory_space<hbm>>
    tpu.enqueue_dma source(%arg8 : memref<32x1024xf32, #tpu.memory_space<vmem>>) target(%dma_start3A_248 : memref<32x1024xf32, #tpu.memory_space<hbm>>) target_semaphore(%arg10 : memref<!tpu.dma_semaphore, #tpu.memory_space<semaphore_mem>>)
    %dma_wait3A_249 = arith.constant 384 : i32
    %dma_wait3A_250 = tpu.memref_slice %arg5[%dma_wait3A_249] : memref<512xi32, #tpu.memory_space<vmem>> -> memref<32xi32, #tpu.memory_space<vmem>>
    %dma_wait3A_251 = arith.constant 0 : i32
    %dma_wait3A_252 = arith.constant 0 : i32
    %dma_wait3A_253 = tpu.memref_slice %arg2[%dma_wait3A_251, %dma_wait3A_252] : memref<512x1024xf32, #tpu.memory_space<hbm>> -> memref<512x1024xf32, #tpu.memory_space<hbm>>
    tpu.wait_indirect_dma semaphore(%arg9 : memref<!tpu.dma_semaphore, #tpu.memory_space<semaphore_mem>>) src(%dma_wait3A_253 : memref<512x1024xf32, #tpu.memory_space<hbm>>) dst(%arg6 : memref<32x1024xf32, #tpu.memory_space<vmem>>)
    %dma_wait3A_254 = arith.constant 0 : i32
    %dma_wait3A_255 = tpu.memref_slice %arg4[%add3A_244, %dma_wait3A_254] : memref<16384x1024xf32, #tpu.memory_space<hbm>> -> memref<32x1024xf32, #tpu.memory_space<hbm>>
    %dma_wait3A_256 = arith.constant 0 : i32
    %dma_wait3A_257 = tpu.memref_slice %arg4[%add3A_244, %dma_wait3A_256] : memref<16384x1024xf32, #tpu.memory_space<hbm>> -> memref<32x1024xf32, #tpu.memory_space<hbm>>
    tpu.wait_dma2 semaphore(%arg10 : memref<!tpu.dma_semaphore, #tpu.memory_space<semaphore_mem>>) src(%arg8 : memref<32x1024xf32, #tpu.memory_space<vmem>>) dst(%dma_wait3A_257 : memref<32x1024xf32, #tpu.memory_space<hbm>>)
    %dma_start3A_258 = arith.constant 448 : i32
    %dma_start3A_259 = tpu.memref_slice %arg5[%dma_start3A_258] : memref<512xi32, #tpu.memory_space<vmem>> -> memref<32xi32, #tpu.memory_space<vmem>>
    %dma_start3A_260 = arith.constant 0 : i32
    %dma_start3A_261 = arith.constant 0 : i32
    %dma_start3A_262 = tpu.memref_slice %arg2[%dma_start3A_260, %dma_start3A_261] : memref<512x1024xf32, #tpu.memory_space<hbm>> -> memref<512x1024xf32, #tpu.memory_space<hbm>>
    tpu.enqueue_indirect_dma source(%dma_start3A_262 : memref<512x1024xf32, #tpu.memory_space<hbm>>) target(%arg8 : memref<32x1024xf32, #tpu.memory_space<vmem>>) offsets(%dma_start3A_259 : memref<32xi32, #tpu.memory_space<vmem>>) semaphore(%arg9 : memref<!tpu.dma_semaphore, #tpu.memory_space<semaphore_mem>>)
    %add3A_263 = arith.constant 384 : i32
    %add3A_264 = arith.addi %mul3A_2, %add3A_263 : i32
    %dma_start3A_265 = arith.constant 0 : i32
    %dma_start3A_266 = tpu.memref_slice %arg4[%add3A_264, %dma_start3A_265] : memref<16384x1024xf32, #tpu.memory_space<hbm>> -> memref<32x1024xf32, #tpu.memory_space<hbm>>
    %dma_start3A_267 = arith.constant 0 : i32
    %dma_start3A_268 = tpu.memref_slice %arg4[%add3A_264, %dma_start3A_267] : memref<16384x1024xf32, #tpu.memory_space<hbm>> -> memref<32x1024xf32, #tpu.memory_space<hbm>>
    tpu.enqueue_dma source(%arg6 : memref<32x1024xf32, #tpu.memory_space<vmem>>) target(%dma_start3A_268 : memref<32x1024xf32, #tpu.memory_space<hbm>>) target_semaphore(%arg10 : memref<!tpu.dma_semaphore, #tpu.memory_space<semaphore_mem>>)
    %dma_wait3A_269 = arith.constant 416 : i32
    %dma_wait3A_270 = tpu.memref_slice %arg5[%dma_wait3A_269] : memref<512xi32, #tpu.memory_space<vmem>> -> memref<32xi32, #tpu.memory_space<vmem>>
    %dma_wait3A_271 = arith.constant 0 : i32
    %dma_wait3A_272 = arith.constant 0 : i32
    %dma_wait3A_273 = tpu.memref_slice %arg2[%dma_wait3A_271, %dma_wait3A_272] : memref<512x1024xf32, #tpu.memory_space<hbm>> -> memref<512x1024xf32, #tpu.memory_space<hbm>>
    tpu.wait_indirect_dma semaphore(%arg9 : memref<!tpu.dma_semaphore, #tpu.memory_space<semaphore_mem>>) src(%dma_wait3A_273 : memref<512x1024xf32, #tpu.memory_space<hbm>>) dst(%arg7 : memref<32x1024xf32, #tpu.memory_space<vmem>>)
    %dma_wait3A_274 = arith.constant 0 : i32
    %dma_wait3A_275 = tpu.memref_slice %arg4[%add3A_264, %dma_wait3A_274] : memref<16384x1024xf32, #tpu.memory_space<hbm>> -> memref<32x1024xf32, #tpu.memory_space<hbm>>
    %dma_wait3A_276 = arith.constant 0 : i32
    %dma_wait3A_277 = tpu.memref_slice %arg4[%add3A_264, %dma_wait3A_276] : memref<16384x1024xf32, #tpu.memory_space<hbm>> -> memref<32x1024xf32, #tpu.memory_space<hbm>>
    tpu.wait_dma2 semaphore(%arg10 : memref<!tpu.dma_semaphore, #tpu.memory_space<semaphore_mem>>) src(%arg6 : memref<32x1024xf32, #tpu.memory_space<vmem>>) dst(%dma_wait3A_277 : memref<32x1024xf32, #tpu.memory_space<hbm>>)
    %dma_start3A_278 = arith.constant 480 : i32
    %dma_start3A_279 = tpu.memref_slice %arg5[%dma_start3A_278] : memref<512xi32, #tpu.memory_space<vmem>> -> memref<32xi32, #tpu.memory_space<vmem>>
    %dma_start3A_280 = arith.constant 0 : i32
    %dma_start3A_281 = arith.constant 0 : i32
    %dma_start3A_282 = tpu.memref_slice %arg2[%dma_start3A_280, %dma_start3A_281] : memref<512x1024xf32, #tpu.memory_space<hbm>> -> memref<512x1024xf32, #tpu.memory_space<hbm>>
    tpu.enqueue_indirect_dma source(%dma_start3A_282 : memref<512x1024xf32, #tpu.memory_space<hbm>>) target(%arg6 : memref<32x1024xf32, #tpu.memory_space<vmem>>) offsets(%dma_start3A_279 : memref<32xi32, #tpu.memory_space<vmem>>) semaphore(%arg9 : memref<!tpu.dma_semaphore, #tpu.memory_space<semaphore_mem>>)
    %add3A_283 = arith.constant 416 : i32
    %add3A_284 = arith.addi %mul3A_2, %add3A_283 : i32
    %dma_start3A_285 = arith.constant 0 : i32
    %dma_start3A_286 = tpu.memref_slice %arg4[%add3A_284, %dma_start3A_285] : memref<16384x1024xf32, #tpu.memory_space<hbm>> -> memref<32x1024xf32, #tpu.memory_space<hbm>>
    %dma_start3A_287 = arith.constant 0 : i32
    %dma_start3A_288 = tpu.memref_slice %arg4[%add3A_284, %dma_start3A_287] : memref<16384x1024xf32, #tpu.memory_space<hbm>> -> memref<32x1024xf32, #tpu.memory_space<hbm>>
    tpu.enqueue_dma source(%arg7 : memref<32x1024xf32, #tpu.memory_space<vmem>>) target(%dma_start3A_288 : memref<32x1024xf32, #tpu.memory_space<hbm>>) target_semaphore(%arg10 : memref<!tpu.dma_semaphore, #tpu.memory_space<semaphore_mem>>)
    %dma_wait3A_289 = arith.constant 448 : i32
    %dma_wait3A_290 = tpu.memref_slice %arg5[%dma_wait3A_289] : memref<512xi32, #tpu.memory_space<vmem>> -> memref<32xi32, #tpu.memory_space<vmem>>
    %dma_wait3A_291 = arith.constant 0 : i32
    %dma_wait3A_292 = arith.constant 0 : i32
    %dma_wait3A_293 = tpu.memref_slice %arg2[%dma_wait3A_291, %dma_wait3A_292] : memref<512x1024xf32, #tpu.memory_space<hbm>> -> memref<512x1024xf32, #tpu.memory_space<hbm>>
    tpu.wait_indirect_dma semaphore(%arg9 : memref<!tpu.dma_semaphore, #tpu.memory_space<semaphore_mem>>) src(%dma_wait3A_293 : memref<512x1024xf32, #tpu.memory_space<hbm>>) dst(%arg8 : memref<32x1024xf32, #tpu.memory_space<vmem>>)
    %add3A_294 = arith.constant 448 : i32
    %add3A_295 = arith.addi %mul3A_2, %add3A_294 : i32
    %dma_start3A_296 = arith.constant 0 : i32
    %dma_start3A_297 = tpu.memref_slice %arg4[%add3A_295, %dma_start3A_296] : memref<16384x1024xf32, #tpu.memory_space<hbm>> -> memref<32x1024xf32, #tpu.memory_space<hbm>>
    %dma_start3A_298 = arith.constant 0 : i32
    %dma_start3A_299 = tpu.memref_slice %arg4[%add3A_295, %dma_start3A_298] : memref<16384x1024xf32, #tpu.memory_space<hbm>> -> memref<32x1024xf32, #tpu.memory_space<hbm>>
    tpu.enqueue_dma source(%arg8 : memref<32x1024xf32, #tpu.memory_space<vmem>>) target(%dma_start3A_299 : memref<32x1024xf32, #tpu.memory_space<hbm>>) target_semaphore(%arg10 : memref<!tpu.dma_semaphore, #tpu.memory_space<semaphore_mem>>)
    %dma_wait3A_300 = arith.constant 480 : i32
    %dma_wait3A_301 = tpu.memref_slice %arg5[%dma_wait3A_300] : memref<512xi32, #tpu.memory_space<vmem>> -> memref<32xi32, #tpu.memory_space<vmem>>
    %dma_wait3A_302 = arith.constant 0 : i32
    %dma_wait3A_303 = arith.constant 0 : i32
    %dma_wait3A_304 = tpu.memref_slice %arg2[%dma_wait3A_302, %dma_wait3A_303] : memref<512x1024xf32, #tpu.memory_space<hbm>> -> memref<512x1024xf32, #tpu.memory_space<hbm>>
    tpu.wait_indirect_dma semaphore(%arg9 : memref<!tpu.dma_semaphore, #tpu.memory_space<semaphore_mem>>) src(%dma_wait3A_304 : memref<512x1024xf32, #tpu.memory_space<hbm>>) dst(%arg6 : memref<32x1024xf32, #tpu.memory_space<vmem>>)
    %add3A_305 = arith.constant 480 : i32
    %add3A_306 = arith.addi %mul3A_2, %add3A_305 : i32
    %dma_start3A_307 = arith.constant 0 : i32
    %dma_start3A_308 = tpu.memref_slice %arg4[%add3A_306, %dma_start3A_307] : memref<16384x1024xf32, #tpu.memory_space<hbm>> -> memref<32x1024xf32, #tpu.memory_space<hbm>>
    %dma_start3A_309 = arith.constant 0 : i32
    %dma_start3A_310 = tpu.memref_slice %arg4[%add3A_306, %dma_start3A_309] : memref<16384x1024xf32, #tpu.memory_space<hbm>> -> memref<32x1024xf32, #tpu.memory_space<hbm>>
    tpu.enqueue_dma source(%arg6 : memref<32x1024xf32, #tpu.memory_space<vmem>>) target(%dma_start3A_310 : memref<32x1024xf32, #tpu.memory_space<hbm>>) target_semaphore(%arg10 : memref<!tpu.dma_semaphore, #tpu.memory_space<semaphore_mem>>)
    %dma_wait3A_311 = arith.constant 0 : i32
    %dma_wait3A_312 = tpu.memref_slice %arg4[%add3A_306, %dma_wait3A_311] : memref<16384x1024xf32, #tpu.memory_space<hbm>> -> memref<32x1024xf32, #tpu.memory_space<hbm>>
    %dma_wait3A_313 = arith.constant 0 : i32
    %dma_wait3A_314 = tpu.memref_slice %arg4[%add3A_306, %dma_wait3A_313] : memref<16384x1024xf32, #tpu.memory_space<hbm>> -> memref<32x1024xf32, #tpu.memory_space<hbm>>
    tpu.wait_dma2 semaphore(%arg10 : memref<!tpu.dma_semaphore, #tpu.memory_space<semaphore_mem>>) src(%arg6 : memref<32x1024xf32, #tpu.memory_space<vmem>>) dst(%dma_wait3A_314 : memref<32x1024xf32, #tpu.memory_space<hbm>>)
    %dma_wait3A_315 = arith.constant 0 : i32
    %dma_wait3A_316 = tpu.memref_slice %arg4[%add3A_284, %dma_wait3A_315] : memref<16384x1024xf32, #tpu.memory_space<hbm>> -> memref<32x1024xf32, #tpu.memory_space<hbm>>
    %dma_wait3A_317 = arith.constant 0 : i32
    %dma_wait3A_318 = tpu.memref_slice %arg4[%add3A_284, %dma_wait3A_317] : memref<16384x1024xf32, #tpu.memory_space<hbm>> -> memref<32x1024xf32, #tpu.memory_space<hbm>>
    tpu.wait_dma2 semaphore(%arg10 : memref<!tpu.dma_semaphore, #tpu.memory_space<semaphore_mem>>) src(%arg7 : memref<32x1024xf32, #tpu.memory_space<vmem>>) dst(%dma_wait3A_318 : memref<32x1024xf32, #tpu.memory_space<hbm>>)
    %dma_wait3A_319 = arith.constant 0 : i32
    %dma_wait3A_320 = tpu.memref_slice %arg4[%add3A_295, %dma_wait3A_319] : memref<16384x1024xf32, #tpu.memory_space<hbm>> -> memref<32x1024xf32, #tpu.memory_space<hbm>>
    %dma_wait3A_321 = arith.constant 0 : i32
    %dma_wait3A_322 = tpu.memref_slice %arg4[%add3A_295, %dma_wait3A_321] : memref<16384x1024xf32, #tpu.memory_space<hbm>> -> memref<32x1024xf32, #tpu.memory_space<hbm>>
    tpu.wait_dma2 semaphore(%arg10 : memref<!tpu.dma_semaphore, #tpu.memory_space<semaphore_mem>>) src(%arg8 : memref<32x1024xf32, #tpu.memory_space<vmem>>) dst(%dma_wait3A_322 : memref<32x1024xf32, #tpu.memory_space<hbm>>)
    return
  }
}

module attributes {stable_mosaic.version = 14 : i64} {
  func.func @_tc_body(%arg0: i32, %arg1: memref<512x256xf32, #tpu.memory_space<vmem>>, %arg2: memref<256x1024xf32, #tpu.memory_space<vmem>>, %arg3: memref<1x1024xf32, #tpu.memory_space<vmem>>, %arg4: memref<1024x512xf32, #tpu.memory_space<vmem>>, %arg5: memref<1x1x512xi32, #tpu.memory_space<vmem>>, %arg6: memref<1x1xf32, #tpu.memory_space<vmem>>, %arg7: memref<1xf32, #tpu.memory_space<smem>>, %arg8: memref<1x512xf32, #tpu.memory_space<vmem>>) attributes {dimension_semantics = [#tpu.dimension_semantics<arbitrary>], iteration_bounds = array<i64: 32>, scalar_prefetch = 0 : i64, scratch_operands = 2 : i64, tpu.core_type = #tpu.core_type<tc>, window_params = [{transform_indices = @transform_0, window_bounds = array<i64: 512, 256>}, {pipeline_mode = #tpu.pipeline_mode<synchronous>, transform_indices = @transform_1, window_bounds = array<i64: 256, 1024>}, {pipeline_mode = #tpu.pipeline_mode<synchronous>, transform_indices = @transform_2, window_bounds = array<i64: 1, 1024>}, {pipeline_mode = #tpu.pipeline_mode<synchronous>, transform_indices = @transform_3, window_bounds = array<i64: 1024, 512>}, {transform_indices = @transform_4, window_bounds = array<i64: 1, 1, 512>}, {pipeline_mode = #tpu.pipeline_mode<synchronous>, transform_indices = @transform_5, window_bounds = array<i64: 1, 1>}]} {
    %eq3A = arith.constant 0 : i32
    %eq3A_0 = arith.cmpi eq, %arg0, %eq3A : i32
    %convert_element_type3A = arith.extui %eq3A_0 : i1 to i32
    %cond3A = arith.constant 0 : i32
    %cond3A_1 = arith.cmpi ne, %convert_element_type3A, %cond3A : i32
    scf.if %cond3A_1 {
      %get3A_56 = arith.constant 0 : index
      %get3A_57 = arith.constant 0 : index
      %get3A_58 = vector.load %arg4[%get3A_56, %get3A_57] : memref<1024x512xf32, #tpu.memory_space<vmem>>, vector<1024x512xf32>
      %get3A_59 = arith.constant 0 : index
      %get3A_60 = arith.constant 0 : index
      %get3A_61 = vector.load %arg4[%get3A_59, %get3A_60] : memref<1024x512xf32, #tpu.memory_space<vmem>>, vector<1024x512xf32>
      %mul3A_62 = arith.mulf %get3A_58, %get3A_61 : vector<1024x512xf32>
      %reduce_sum3A_63 = arith.constant dense<0.000000e+00> : vector<512xf32>
      %reduce_sum3A_64 = vector.multi_reduction <add>, %mul3A_62, %reduce_sum3A_63 [0] : vector<1024x512xf32> to vector<512xf32>
      %broadcast_in_dim3A_65 = vector.shape_cast %reduce_sum3A_64 : vector<512xf32> to vector<1x512xf32>
      %swap3A_66 = arith.constant 0 : index
      %swap3A_67 = arith.constant 0 : index
      %swap3A_68 = vector.load %arg8[%swap3A_66, %swap3A_67] : memref<1x512xf32, #tpu.memory_space<vmem>>, vector<1x512xf32>
      tpu.vector_store %arg8[%swap3A_66, %swap3A_67], %broadcast_in_dim3A_65 {strides = array<i32>} : memref<1x512xf32, #tpu.memory_space<vmem>>, vector<1x512xf32>,
      %swap3A_69 = arith.constant 0.000000e+00 : f32
      %swap3A_70 = arith.constant 0 : index
      %swap3A_71 = memref.load %arg7[%swap3A_70] : memref<1xf32, #tpu.memory_space<smem>>
      memref.store %swap3A_69, %arg7[%swap3A_70] : memref<1xf32, #tpu.memory_space<smem>>
    } else {
    }
    %get3A = arith.constant 0 : index
    %get3A_2 = arith.constant 0 : index
    %get3A_3 = vector.load %arg1[%get3A, %get3A_2] : memref<512x256xf32, #tpu.memory_space<vmem>>, vector<512x256xf32>
    %get3A_4 = arith.constant 0 : index
    %get3A_5 = arith.constant 0 : index
    %get3A_6 = vector.load %arg2[%get3A_4, %get3A_5] : memref<256x1024xf32, #tpu.memory_space<vmem>>, vector<256x1024xf32>
    %dot_general3A = arith.constant dense<0.000000e+00> : vector<512x1024xf32>
    %dot_general3A_7 = tpu.matmul %get3A_3, %get3A_6, %dot_general3A {dimension_numbers = #tpu.dot_dimension_numbers<[1], [0], [0], [1], [0, 0, 1, 1], [], []>, transpose_lhs_hint = false} : vector<512x256xf32>, vector<256x1024xf32>, vector<512x1024xf32> -> vector<512x1024xf32>
    %get3A_8 = arith.constant 0 : index
    %get3A_9 = arith.constant 0 : index
    %get3A_10 = vector.load %arg3[%get3A_8, %get3A_9] : memref<1x1024xf32, #tpu.memory_space<vmem>>, vector<1x1024xf32>
    %add3A = vector.broadcast %get3A_10 : vector<1x1024xf32> to vector<512x1024xf32>
    %add3A_11 = arith.addf %dot_general3A_7, %add3A : vector<512x1024xf32>
    %get3A_12 = arith.constant 0 : index
    %get3A_13 = arith.constant 0 : index
    %get3A_14 = vector.load %arg4[%get3A_12, %get3A_13] : memref<1024x512xf32, #tpu.memory_space<vmem>>, vector<1024x512xf32>
    %dot_general3A_15 = arith.constant dense<0.000000e+00> : vector<512x512xf32>
    %dot_general3A_16 = tpu.matmul %add3A_11, %get3A_14, %dot_general3A_15 {dimension_numbers = #tpu.dot_dimension_numbers<[1], [0], [0], [1], [0, 0, 1, 1], [], []>, transpose_lhs_hint = false} : vector<512x1024xf32>, vector<1024x512xf32>, vector<512x512xf32> -> vector<512x512xf32>
    %mul3A = arith.mulf %add3A_11, %add3A_11 : vector<512x1024xf32>
    %reduce_sum3A = arith.constant dense<0.000000e+00> : vector<512xf32>
    %reduce_sum3A_17 = vector.multi_reduction <add>, %mul3A, %reduce_sum3A [1] : vector<512x1024xf32> to vector<512xf32>
    %broadcast_in_dim3A = vector.shape_cast %reduce_sum3A_17 : vector<512xf32> to vector<512x1xf32>
    %get3A_18 = arith.constant 0 : index
    %get3A_19 = arith.constant 0 : index
    %get3A_20 = vector.load %arg8[%get3A_18, %get3A_19] : memref<1x512xf32, #tpu.memory_space<vmem>>, vector<1x512xf32>
    %add3A_21 = vector.broadcast %broadcast_in_dim3A : vector<512x1xf32> to vector<512x512xf32>
    %add3A_22 = vector.broadcast %get3A_20 : vector<1x512xf32> to vector<512x512xf32>
    %add3A_23 = arith.addf %add3A_21, %add3A_22 : vector<512x512xf32>
    %mul3A_24 = arith.constant 2.000000e+00 : f32
    %mul3A_25 = vector.broadcast %mul3A_24 : f32 to vector<512x512xf32>
    %mul3A_26 = arith.mulf %mul3A_25, %dot_general3A_16 : vector<512x512xf32>
    %sub3A = arith.subf %add3A_23, %mul3A_26 : vector<512x512xf32>
    %reduce_min3A = arith.constant dense<0x7F800000> : vector<512xf32>
    %reduce_min3A_27 = vector.multi_reduction <minimumf>, %sub3A, %reduce_min3A [1] : vector<512x512xf32> to vector<512xf32>
    %broadcast_in_dim3A_28 = vector.shape_cast %reduce_min3A_27 : vector<512xf32> to vector<512x1xf32>
    %iota3A = tpu.iota {dimensions = array<i32: 1>} : vector<512x512xi32>
    %convert_element_type3A_29 = arith.sitofp %iota3A : vector<512x512xi32> to vector<512x512xf32>
    %eq3A_30 = vector.broadcast %broadcast_in_dim3A_28 : vector<512x1xf32> to vector<512x512xf32>
    %eq3A_31 = arith.cmpf oeq, %sub3A, %eq3A_30 : vector<512x512xf32>
    %jit3A = arith.constant 5.120000e+02 : f32
    %broadcast_in_dim3A_32 = vector.broadcast %jit3A : f32 to vector<512x512xf32>
    %select_n3A = arith.select %eq3A_31, %convert_element_type3A_29, %broadcast_in_dim3A_32 : vector<512x512xi1>, vector<512x512xf32>
    %reduce_min3A_33 = arith.constant dense<0x7F800000> : vector<512xf32>
    %reduce_min3A_34 = vector.multi_reduction <minimumf>, %select_n3A, %reduce_min3A_33 [1] : vector<512x512xf32> to vector<512xf32>
    %convert_element_type3A_35 = arith.fptosi %reduce_min3A_34 : vector<512xf32> to vector<512xi32>
    %swap3A = arith.constant 0 : index
    %swap3A_36 = arith.constant 0 : index
    %swap3A_37 = arith.constant 0 : index
    %swap3A_38 = vector.load %arg5[%swap3A, %swap3A_36, %swap3A_37] : memref<1x1x512xi32, #tpu.memory_space<vmem>>, vector<1x1x512xi32>
    %swap3A_39 = vector.shape_cast %swap3A_38 : vector<1x1x512xi32> to vector<512xi32>
    %swap3A_40 = vector.shape_cast %convert_element_type3A_35 : vector<512xi32> to vector<1x1x512xi32>
    tpu.vector_store %arg5[%swap3A, %swap3A_36, %swap3A_37], %swap3A_40 {strides = array<i32>} : memref<1x1x512xi32, #tpu.memory_space<vmem>>, vector<1x1x512xi32>,
    %get3A_41 = arith.constant 0 : index
    %get3A_42 = memref.load %arg7[%get3A_41] : memref<1xf32, #tpu.memory_space<smem>>
    %reduce_sum3A_43 = vector.shape_cast %broadcast_in_dim3A_28 : vector<512x1xf32> to vector<1x512x1xf32>
    %reduce_sum3A_44 = arith.constant dense<0.000000e+00> : vector<1xf32>
    %reduce_sum3A_45 = vector.multi_reduction <add>, %reduce_sum3A_43, %reduce_sum3A_44 [1, 2] : vector<1x512x1xf32> to vector<1xf32>
    %reduce_sum3A_46 = vector.shape_cast %reduce_sum3A_45 : vector<1xf32> to vector<1x1x1xf32>
    %reduce_sum3A_47 = vector.extract %reduce_sum3A_46[0, 0, 0] : f32 from vector<1x1x1xf32>
    %add3A_48 = arith.addf %get3A_42, %reduce_sum3A_47 : f32
    %swap3A_49 = arith.constant 0 : index
    %swap3A_50 = memref.load %arg7[%swap3A_49] : memref<1xf32, #tpu.memory_space<smem>>
    memref.store %add3A_48, %arg7[%swap3A_49] : memref<1xf32, #tpu.memory_space<smem>>
    %eq3A_51 = arith.constant 31 : i32
    %eq3A_52 = arith.cmpi eq, %arg0, %eq3A_51 : i32
    %convert_element_type3A_53 = arith.extui %eq3A_52 : i1 to i32
    %cond3A_54 = arith.constant 0 : i32
    %cond3A_55 = arith.cmpi ne, %convert_element_type3A_53, %cond3A_54 : i32
    scf.if %cond3A_55 {
      %get3A_56 = arith.constant 0 : index
      %get3A_57 = memref.load %arg7[%get3A_56] : memref<1xf32, #tpu.memory_space<smem>>
      %mul3A_58 = arith.constant 7.4505806E-8 : f32
      %mul3A_59 = arith.mulf %get3A_57, %mul3A_58 : f32
      %broadcast_in_dim3A_60 = vector.broadcast %mul3A_59 : f32 to vector<1x1xf32>
      %swap3A_61 = arith.constant 0 : index
      %swap3A_62 = arith.constant 0 : index
      %swap3A_63 = vector.load %arg6[%swap3A_61, %swap3A_62] : memref<1x1xf32, #tpu.memory_space<vmem>>, vector<1x1xf32>
      tpu.vector_store %arg6[%swap3A_61, %swap3A_62], %broadcast_in_dim3A_60 {strides = array<i32>} : memref<1x1xf32, #tpu.memory_space<vmem>>, vector<1x1xf32>,
    } else {
    }
    return
  }
  func.func @transform_0(%arg0: i32) -> (i32, i32) {
    %c0_i32 = arith.constant 0 : i32
    %c0_i32_0 = arith.constant 0 : i32
    return %arg0, %c0_i32 : i32, i32
  }
  func.func @transform_1(%arg0: i32) -> (i32, i32) {
    %c0_i32 = arith.constant 0 : i32
    %c0_i32_0 = arith.constant 0 : i32
    %c0_i32_1 = arith.constant 0 : i32
    return %c0_i32, %c0_i32_0 : i32, i32
  }
  func.func @transform_2(%arg0: i32) -> (i32, i32) {
    %c0_i32 = arith.constant 0 : i32
    %c0_i32_0 = arith.constant 0 : i32
    %c0_i32_1 = arith.constant 0 : i32
    return %c0_i32, %c0_i32_0 : i32, i32
  }
  func.func @transform_3(%arg0: i32) -> (i32, i32) {
    %c0_i32 = arith.constant 0 : i32
    %c0_i32_0 = arith.constant 0 : i32
    %c0_i32_1 = arith.constant 0 : i32
    return %c0_i32, %c0_i32_0 : i32, i32
  }
  func.func @transform_4(%arg0: i32) -> (i32, i32, i32) {
    %c0_i32 = arith.constant 0 : i32
    %c0_i32_0 = arith.constant 0 : i32
    %c0_i32_1 = arith.constant 0 : i32
    return %arg0, %c0_i32, %c0_i32_0 : i32, i32, i32
  }
  func.func @transform_5(%arg0: i32) -> (i32, i32) {
    %c0_i32 = arith.constant 0 : i32
    %c0_i32_0 = arith.constant 0 : i32
    %c0_i32_1 = arith.constant 0 : i32
    return %c0_i32, %c0_i32_0 : i32, i32
  }
}

</mosaic_0001>

<sc_bundles>
// kernel: kernel.4.cloned.1.call-start
scs
__scs_entry_jumppad:
0x0: {  	(pc) =	sbr.rel $0x88, $3  }
0x1: {  	(tag) =	ssettag $0x0;
	lr =	simm.s32 $0x1  }
0x2: {  	[smem:$0x3F9D] =	sst lr;
	_ =	strace $0xD0000000  }
0x3: {  	_ = 	snop  }
0x4: {  	_ = 	snop  }
0x5: {  	_ = 	snop  }
0x6: {  	_ = 	snop  }
0x7: {  	_ = 	snop  }
__scs_overlays_trampoline_lowered:
0x8: {  	[smem:$0x3FAC] =	sst s0  }
0x9: {  	[smem:$0x3FAD] =	sst s1  }
0xa: {  	[smem:$0x3FAE] =	sst s2  }
0xb: {  	[smem:$0x3FAF] =	sst s3  }
0xc: {  	[smem:$0x3FB0] =	sst s4  }
0xd: {  	[smem:$0x3FB1] =	sst s5  }
0xe: {  	[smem:$0x3FB2] =	sst s6  }
0xf: {  	[smem:$0x3FB3] =	sst s7  }
0x10: {  	[smem:$0x3FB4] =	sst s8  }
0x11: {  	[smem:$0x3FB5] =	sst s9;
	s0 =	simm.s32 @!p0 $0x0  }
0x12: {  	s1 =	sld [smem:$0x3F9B];
	s0 =	simm.s32 @p0 $0x1  }
0x13: {  	[smem:$0x3FB6] =	sst s0;
	s0 =	simm.s32 @!p1 $0x0  }
0x14: {  	s2 =	sld [smem:$0x3F9A];
	s0 =	simm.s32 @p1 $0x1  }
0x15: {  	[smem:$0x3FB7] =	sst s0;
	s0 =	simm.s32 @!p2 $0x0  }
0x16: {  	s3 =	sld [smem:$0x3FDB];
	s0 =	simm.s32 @p2 $0x1  }
0x17: {  	s4 =	simm.s32 $0x1BF5;
	[smem:$0x3FB9] =	sst s0  }
0x18: {  	s0 =	sld [smem:$0x3F9C];
	_ =	swait.ge [sflag:s4], $0x0  }
0x19: {  	s7 =	sld [smem:$0x3F9D]  }
0x1a: {  	s8 =	sadd.s32 $0xFFFFE003, lr  }
0x1b: {  	s9 =	sadd.s32 $0xFFFFFEF7, lr;
	s5 =	simm.s32 $0xFFFFFFFF;
	p2 =	slt.u32 s8, $0xFFFFF086  }
0x1c: {  	p1 =	slt.u32 s9, $0xF7A;
	s5 =	simm.s32 @!p2 $0x0  }
0x1d: {  	s5 =	simm.s32 @p1 $0x1;
	p0 =	seq.s32 s7, s2  }
0x1e: {  	s7 =	smul.u32 @!p0 $0xF7A, s2;
	p2 =	seq.s32 @!p0 s5, $0x0  }
0x1f: {  	s9 =	smul.u32 $0xF7A, s1;
	s8 =	simm.s32 @!p0 $0x1BF5;
	p2 =	por !p2, p0  }
0x20: {  	[sflag:s8] =	ssyncset.s32 @!p0 $0xFFFFF086;
	s6 =	sadd.s32 @!p0 s3, s7;
	s7 =	simm.s32 @!p0 $0x108  }
0x21: {  	s3 =	sadd.s32 s3, s9;
	s6 =	sadd.s32 @!p0 $0x88, s6;
	s7 =	simm.s32 @p2 $0x1082  }
0x22: {  	[simem:s7], [sflag:s8] =	dma.local @!p0 [hbm:s6], $0xF7A  }
0x23: {  	s9 =	sor.u32 $0xD0000000, s2;
	s6 =	simm.s32 $0x108;
	_ =	swait.ge @!p0 [sflag:s8], $0x0  }
0x24: {  	s3 =	sadd.s32 $0x88, s3;
	s6 =	simm.s32 @!p1 $0x1082;
	[sflag:s4] =	ssyncset.s32 $0xFFFFF086  }
0x25: {  	[simem:s6], [sflag:s4] =	dma.local [hbm:s3], $0xF7A  }
0x26: {  	[smem:$0x3F9D] =	sst s1;
	(tag) =	ssettag s2;
	_ =	strace s9  }
0x27: {  	s1 =	sld [smem:$0x3FAD]  }
0x28: {  	s2 =	sld [smem:$0x3FAE]  }
0x29: {  	s4 =	sld [smem:$0x3FB0]  }
0x2a: {  	p0 =	seq.s32 s5, $0x0;
	s5 =	sld [smem:$0x3FB1]  }
0x2b: {  	s6 =	sld [smem:$0x3FB2]  }
0x2c: {  	s7 =	sld [smem:$0x3FB3]  }
0x2d: {  	s3 =	simm.s32 $0x108;
	s8 =	sld [smem:$0x3FB4]  }
0x2e: {  	s3 =	simm.s32 @!p0 $0x1082;
	s9 =	sld [smem:$0x3FB5]  }
0x2f: {  	lr =	sadd.s32 s0, s3;
	s0 =	sld [smem:$0x3FAC]  }
0x30: {  	s3 =	sld [smem:$0x3FAF]  }
0x31: {  	[smem:$0x3FB8] =	sst s10  }
0x32: {  	s10 =	sld [smem:$0x3FB6];
	_ =	sdelay $0x3  }
0x33: {  	p0 =	seq.s32 s10, $0x1;
	s10 =	sld [smem:$0x3FB8];
	_ =	sdelay $0x3  }
0x34: {  	[smem:$0x3FB8] =	sst s10  }
0x35: {  	s10 =	sld [smem:$0x3FB7];
	_ =	sdelay $0x3  }
0x36: {  	p1 =	seq.s32 s10, $0x1;
	s10 =	sld [smem:$0x3FB8];
	_ =	sdelay $0x3  }
0x37: {  	[smem:$0x3FB8] =	sst s10  }
0x38: {  	s10 =	sld [smem:$0x3FB9]  }
0x39: {  	_ = 	snop;
	(pc) =	sbr.ind lr, $3  }
0x3a: {  	_ = 	snop  }
0x3b: {  	_ = 	snop  }
0x3c: {  	p2 =	seq.s32 s10, $0x1;
	s10 =	sld [smem:$0x3FB8]  }
0x3d: {  	_ =	shalt  }
0x3e: {  	_ =	shalt  }
0x3f: {  	_ =	shalt  }
0x40: {  	_ =	shalt  }
0x41: {  	_ =	shalt  }
0x42: {  	_ =	shalt  }
0x43: {  	_ =	shalt  }
0x44: {  	_ =	shalt  }
0x45: {  	_ =	shalt  }
0x46: {  	_ =	shalt  }
0x47: {  	_ =	shalt  }
0x48: {  	_ =	shalt  }
0x49: {  	_ =	shalt  }
0x4a: {  	_ =	shalt  }
0x4b: {  	_ =	shalt  }
0x4c: {  	_ =	shalt  }
0x4d: {  	_ =	shalt  }
0x4e: {  	_ =	shalt  }
0x4f: {  	_ =	shalt  }
0x50: {  	_ =	shalt  }
0x51: {  	_ =	shalt  }
0x52: {  	_ =	shalt  }
0x53: {  	_ =	shalt  }
0x54: {  	_ =	shalt  }
0x55: {  	_ =	shalt  }
0x56: {  	_ =	shalt  }
0x57: {  	_ =	shalt  }
0x58: {  	_ =	shalt  }
0x59: {  	_ =	shalt  }
0x5a: {  	_ =	shalt  }
0x5b: {  	_ =	shalt  }
0x5c: {  	_ =	shalt  }
0x5d: {  	_ =	shalt  }
0x5e: {  	_ =	shalt  }
0x5f: {  	_ =	shalt  }
0x60: {  	_ =	shalt  }
0x61: {  	_ =	shalt  }
0x62: {  	_ =	shalt  }
0x63: {  	_ =	shalt  }
0x64: {  	_ =	shalt  }
0x65: {  	_ =	shalt  }
0x66: {  	_ =	shalt  }
0x67: {  	_ =	shalt  }
0x68: {  	_ =	shalt  }
0x69: {  	_ =	shalt  }
0x6a: {  	_ =	shalt  }
0x6b: {  	_ =	shalt  }
0x6c: {  	_ =	shalt  }
0x6d: {  	_ =	shalt  }
0x6e: {  	_ =	shalt  }
0x6f: {  	_ =	shalt  }
0x70: {  	_ =	shalt  }
0x71: {  	_ =	shalt  }
0x72: {  	_ =	shalt  }
0x73: {  	_ =	shalt  }
0x74: {  	_ =	shalt  }
0x75: {  	_ =	shalt  }
0x76: {  	_ =	shalt  }
0x77: {  	_ =	shalt  }
0x78: {  	_ =	shalt  }
0x79: {  	_ =	shalt  }
0x7a: {  	_ =	shalt  }
0x7b: {  	_ =	shalt  }
0x7c: {  	_ =	shalt  }
0x7d: {  	_ =	shalt  }
0x7e: {  	_ =	shalt  }
0x7f: {  	_ =	shalt  }
0x80: {  	_ =	shalt  }
0x81: {  	_ =	shalt  }
0x82: {  	_ =	shalt  }
0x83: {  	_ =	shalt  }
0x84: {  	_ =	shalt  }
0x85: {  	_ =	shalt  }
0x86: {  	_ =	shalt  }
0x87: {  	_ =	shalt  }
.Lfunc_end0:
.L_simem_size_0:
called_computation_lowered:
.L_overlay_start_0:
0x88: {  	s2 =	sld [smem:$0x3FD9]  }
0x89: {  	s3 =	sld [smem:$0x3FFE];
	_ =	sdelay $0x1  }
0x8a: {  	s1 =	srdreg.scid  }
0x8b: {  	s0 =	sand.u32 $0x1, s1  }
0x8c: {  	s15 =	sshll.u32 s0, $0xA;
	s2 =	sadd.s32 s3, s2  }
0x8d: {  	s2 =	sadd.s32 s2, s15  }
0x8e: {  	[smem:$0x3FC4] =	sst s2  }
0x8f: {  	_ = 	snop  }
0x90: {  	s2 =	sld [smem:$0x3FD0];
	_ =	sdelay $0x2  }
0x91: {  	s4 =	simm.s32 $0xA;
	s5 =	simm.s32 $0x10;
	s16 =	sld [smem:$0x3FC6]  }
0x92: {  	[smem:s5], [sflag:s4] =	dma.local [hbm:s2], $0x1  }
0x93: {  	_ =	swait.eq [sflag:s4], $0x1  }
0x94: {  	[sflag:s4] =	ssyncset.done $0x0  }
0x95: {  	s17 =	sld [smem:$0x10];
	[sflag:s4] =	ssyncadd.s32 $0xFFFFFFFF  }
0x96: {  	s18 =	sld [smem:$0x12];
	(tm) =	ssettm $0x1  }
0x97: {  	s19 =	sld [smem:$0x3FFB];
	_ =	sdelay $0x3  }
0x98: {  	_ =	strace s19  }
0x99: {  	s5 =	sld [smem:$0x3FFC];
	_ =	sdelay $0x3  }
0x9a: {  	_ =	strace s5  }
0x9b: {  	s5 =	sld [smem:$0x3FFD];
	_ =	sdelay $0x3  }
0x9c: {  	_ =	strace s5  }
0x9d: {  	_ =	strace $0x8FFFFFFF  }
0x9e: {  	s20 =	sld [smem:$0x3FDB];
	_ =	sdelay $0x1  }
0x9f: {  	s6 =	simm.s32 $_scs_section_size  }
0xa0: {  	s7 =	simm.s32 $_size__tile_overlayer_lowered;
	s8 =	simm.s32 $_tile_overlayer_lowered  }
0xa1: {  	s23 =	simm.s32 $0x1BFF;
	s22 =	sshll.u32 s8, $0x1;
	s5 =	sadd.s32 s6, s20  }
0xa2: {  	s9 =	simm.s32 $0x0;
	s21 =	sshll.u32 s7, $0x1;
	s7 =	sadd.s32 s22, s5  }
0xa3: {  	[timem:s9], [sflag:s23] =	dma.local [hbm:s7], s21  }
0xa4: {  	_ =	swait.ge [sflag:s23], s21  }
0xa5: {  	s6 =	ssub.s32 $0x0, s21;
	[sflag:s23] =	ssyncset.done $0x0  }
0xa6: {  	[sflag:s23] =	ssyncadd.s32 s6;
	_ =	sdelay $0x1  }
0xa7: {  	s24 =	simm.s32 $0x1B8B  }
0xa8: {  	_ =	swait.ge [sflag:s24], $0x1  }
0xa9: {  	[sflag:s24] =	ssyncset.done $0x0  }
0xaa: {  	s25 =	simm.s32 $0x1B8E;
	[sflag:s24] =	ssyncadd.s32 $0xFFFFFFFF  }
0xab: {  	s26 =	simm.s32 $execute0_lowered;
	[smem:$0x3FD2] =	sst s25  }
0xac: {  	s6 =	sshll.u32 s26, $0x1;
	_ =	strace $0x80000046;
	[dreg:$0x1] =	wrdreg $0xFFFFFFFF  }
0xad: {  	s28 =	simm.s32 $_size_execute0_lowered;
	s5 =	sadd.s32 s5, s6;
	[dreg:$0x0] =	wrdreg $0x0  }
0xae: {  	s6 =	sshll.u32 s28, $0x1;
	[dreg:$0x2] =	wrdreg s5  }
0xaf: {  	[dreg:$0x3] =	wrdreg s6  }
0xb0: {  	[dreg:$0x4] =	wrdreg $0xC0  }
0xb1: {  	_ =	task [dreg:s9], $0x5FFFF  }
0xb2: {  	[dreg:$0x1] =	wrdreg $0xFFFFFFFF  }
0xb3: {  	[dreg:$0x0] =	wrdreg $0x60  }
0xb4: {  	[dreg:$0x2] =	wrdreg s16  }
0xb5: {  	[dreg:$0x3] =	wrdreg s18  }
0xb6: {  	[dreg:$0x4] =	wrdreg s17  }
0xb7: {  	[dreg:$0x5] =	wrdreg $0x9  }
0xb8: {  	_ =	task.clear_ibuf [dreg:s9], $0x6FFFF;
	_ =	strace $0x90000046  }
0xb9: {  	s29 =	simm.s32 $0x9;
	_ =	strace $0x80000048  }
0xba: {  	_ =	swait.ge [sflag:s29], $0x1  }
0xbb: {  	[sflag:s29] =	ssyncadd.s32 $0xFFFFFFFF  }
0xbc: {  	_ =	strace $0x90000048  }
0xbd: {  	_ =	sfence  }
0xbe: {  	s30 =	sld [smem:$0x0];
	_ =	sdelay $0x2  }
0xbf: {  	s31 =	sshll.u32 s1, $0xD;
	s1 =	sshrl.u32 s1, $0x2  }
0xc0: {  	s3 =	sand.u32 $0x4000, s31;
	s1 =	sadd.s32 s1, s30  }
0xc1: {  	s0 =	sor.u32 s3, s0;
	s1 =	sshll.u32 s1, $0x11  }
0xc2: {  	s0 =	sor.u32 s1, s0  }
0xc3: {  	s0 =	sadd.s32 $0x8F2B, s0  }
0xc4: {  	[sflag:s0] =	ssyncadd.remote.s32 $0x1  }
0xc5: {  	_ =	sfence.sel $0xFFFF  }
0xc6: {  	[dreg:$0x0] =	wrdreg $0xFFFFFFFF;
	(pc) =	sbr.abs _section_cstart, $3  }
0xc7: {  	[dreg:$0x1] =	wrdreg $0xFFFFFFFF  }
0xc8: {  	_ =	task.clear_ibuf [dreg:s9], $0x2FFFF;
	_ =	strace $0x9FFFFFFF  }
0xc9: {  	(tm) =	ssettm $0x7FFFFFFF  }
tec
execute0_lowered:
.L_overlay_start_1:
0x0: {  	(tag) =	ssettag $0x1  }
0x1: {  	s1 =	rddreg [dreg:$0x0]  }
0x2: {  	s0 =	srdreg.scid;
	s2 =	rddreg [dreg:$0x1]  }
0x3: {  	s3 =	stileid.u32;
	s4 =	rddreg [dreg:$0x2];
	s0 =	sand.u32 $0x1, s0  }
0x4: {  	s5 =	sshll.u32 s3, $0xA;
	s3 =	simm.s32 $0x0;
	s6 =	sshll.u32 s0, $0x9  }
0x5: {  	s28 =	simm.s32 $0x20;
	[smem:$0x7FF] =	sst s3;
	s5 =	sor.u32 s6, s5  }
0x6: {  	_ =	strace $0x80000047;
	[dreg:$0x15] =	wrdreg s28;
	s6 =	sshrl.u32 s5, $0x3  }
0x7: {  	s7 =	sor.u32 $0x20, s5;
	s5 =	sshll.u32 s5, $0x7;
	s6 =	sadd.s32 s2, s6  }
0x8: {  	s8 =	sshrl.u32 s7, $0x3;
	s10 =	sadd.s32 s4, s5;
	[dreg:$0x4] =	wrdreg s6  }
0x9: {  	s9 =	sshll.u32 s7, $0x7;
	s2 =	sadd.s32 s2, s8;
	[dreg:$0x16] =	wrdreg s10  }
0xa: {  	s11 =	sadd.s32 s4, s9;
	[dreg:$0x5] =	wrdreg s2  }
0xb: {  	s12 =	sadd.s32 $0x2000, s10;
	[dreg:$0x6] =	wrdreg s11  }
0xc: {  	s13 =	sadd.s32 $0x3000, s10;
	[dreg:$0x7] =	wrdreg s12  }
0xd: {  	s14 =	sadd.s32 $0x4000, s10;
	[dreg:$0x8] =	wrdreg s13  }
0xe: {  	s15 =	sadd.s32 $0x5000, s10;
	[dreg:$0x9] =	wrdreg s14  }
0xf: {  	s29 =	simm.s32 $0x1;
	s16 =	sadd.s32 $0x6000, s10;
	[dreg:$0xa] =	wrdreg s15  }
0x10: {  	s31 =	simm.s32 $0x2;
	s17 =	sadd.s32 $0x7000, s10;
	[dreg:$0xb] =	wrdreg s16  }
0x11: {  	s30 =	simm.s32 $0x8200;
	s18 =	sadd.s32 $0x8000, s10;
	[dreg:$0xc] =	wrdreg s17  }
0x12: {  	s0 =	ssub.s32 $0x2, s0;
	s19 =	sadd.s32 $0x9000, s10;
	[dreg:$0xd] =	wrdreg s18  }
0x13: {  	s23 =	sshrl.u32 s0, $0x1;
	s20 =	sadd.s32 $0xA000, s10;
	[dreg:$0xe] =	wrdreg s19  }
0x14: {  	s0 =	ssub.s32 s0, s23;
	s21 =	sadd.s32 $0xB000, s10;
	[dreg:$0xf] =	wrdreg s20  }
0x15: {  	s5 =	sadd.s32 $0x100, s1;
	s22 =	sadd.s32 $0xC000, s10;
	[dreg:$0x10] =	wrdreg s21  }
0x16: {  	s7 =	sadd.s32 $0x300, s1;
	s24 =	sadd.s32 $0xD000, s10;
	[dreg:$0x11] =	wrdreg s22  }
0x17: {  	v2 =	vlaneseq.u32;
	s25 =	sadd.s32 $0xE000, s10;
	s26 =	sadd.s32 $0xF000, s10;
	[dreg:$0x12] =	wrdreg s24  }
0x18: {  	vm0 =	vmmov $0xffff;
	v1 =	vshrl.u32 v2, $0x3;
	s6 =	sadd.s32 $0x200, s1;
	s8 =	smax.u32 s0, $0x1;
	[dreg:$0x13] =	wrdreg s25  }
0x19: {  	v0 =	vand.u32 $0x7, v2;
	v2 =	vor.u32 $0x8, v2;
	v1 =	vmul.u32 $0x8, v1;
	s10 =	simm.s32 $0x10200;
	[dreg:$0x14] =	wrdreg s26;
	s16 =	simm.s32 $0x200  }
.LBB2_1:
0x1a: {  	s2 =	rddreg [dreg:$0x4];
	s4 =	simm.s32 $0x3  }
0x1b: {  	[tilespmem:s3], [sflag:$0x3] =	stream.linear.gather [hbm4b:s2+s3], $0x20, $0x38;
	[tilespmem:$0x18200] =	vst v63  }
0x1c: {  	_ =	swait.ge [sflag:s4], $0x20  }
0x1d: {  	[sflag:s4] =	ssyncset.done $0x0  }
0x1e: {  	[sflag:s4] =	ssyncadd.s32 $0xFFFFFFE0  }
0x1f: {  	v3 =	vld [tilespmem:$0x0];
	_ =	sdelay $0x4  }
0x20: {  	v4 =	vshll.u32 v3, $0x3  }
0x21: {  	v3 =	vand.u32 $0x7, v3;
	v4 =	vand.u32 $0xFFFFFFC0, v4  }
0x22: {  	v3 =	vor.u32 v3, v4  }
0x23: {  	v4 =	vperm.xlane v3, v0;
	_ =	sdelay $0x1  }
0x24: {  	v4 =	vadd.s32 v1, v4;
	_ =	sdelay $0x4  }
0x25: {  	[tilespmem:s16], [sflag:$0x1] =	stream.indirect_vreg.gather [hbm4b:s1+s3], $0x80, v4, vm0, $0xb8;
	[tilespmem:$0x18200] =	vst v63  }
0x26: {  	s0 =	simm.s32 $0xA00;
	v3 =	vperm.xlane v3, v2  }
0x27: {  	[tilespmem:s0], [sflag:$0x1] =	stream.indirect_vreg.gather [hbm4b:s5+s3], $0x80, v4, vm0, $0xb8;
	[tilespmem:$0x18200] =	vst v63  }
0x28: {  	s18 =	simm.s32 $0x1200;
	v3 =	vadd.s32 v1, v3  }
0x29: {  	[tilespmem:s18], [sflag:$0x1] =	stream.indirect_vreg.gather [hbm4b:s6+s3], $0x80, v4, vm0, $0xb8;
	[tilespmem:$0x18200] =	vst v63  }
0x2a: {  	s19 =	simm.s32 $0x1A00  }
0x2b: {  	[tilespmem:s19], [sflag:$0x1] =	stream.indirect_vreg.gather [hbm4b:s7+s3], $0x80, v4, vm0, $0xb8;
	[tilespmem:$0x18200] =	vst v63  }
0x2c: {  	s20 =	simm.s32 $0x2200  }
0x2d: {  	[tilespmem:s20], [sflag:$0x1] =	stream.indirect_vreg.gather [hbm4b:s1+s3], $0x80, v3, vm0, $0xb8;
	[tilespmem:$0x18200] =	vst v63  }
0x2e: {  	s21 =	simm.s32 $0x2A00  }
0x2f: {  	[tilespmem:s21], [sflag:$0x1] =	stream.indirect_vreg.gather [hbm4b:s5+s3], $0x80, v3, vm0, $0xb8;
	[tilespmem:$0x18200] =	vst v63  }
0x30: {  	s22 =	simm.s32 $0x3200  }
0x31: {  	[tilespmem:s22], [sflag:$0x1] =	stream.indirect_vreg.gather [hbm4b:s6+s3], $0x80, v3, vm0, $0xb8;
	[tilespmem:$0x18200] =	vst v63  }
0x32: {  	s23 =	simm.s32 $0x3A00  }
0x33: {  	[tilespmem:s23], [sflag:$0x1] =	stream.indirect_vreg.gather [hbm4b:s7+s3], $0x80, v3, vm0, $0xb8;
	[tilespmem:$0x18200] =	vst v63  }
0x34: {  	v3 =	vld [tilespmem:$0x10];
	_ =	sdelay $0x4  }
0x35: {  	v33 =	vshll.u32 v3, $0x3  }
0x36: {  	v3 =	vand.u32 $0x7, v3;
	v4 =	vand.u32 $0xFFFFFFC0, v33  }
0x37: {  	v3 =	vor.u32 v3, v4  }
0x38: {  	v4 =	vperm.xlane v3, v0;
	_ =	sdelay $0x1  }
0x39: {  	v4 =	vadd.s32 v1, v4;
	_ =	sdelay $0x3  }
0x3a: {  	s24 =	simm.s32 $0x4200  }
0x3b: {  	[tilespmem:s24], [sflag:$0x1] =	stream.indirect_vreg.gather [hbm4b:s1+s3], $0x80, v4, vm0, $0xb8;
	[tilespmem:$0x18200] =	vst v63  }
0x3c: {  	s25 =	simm.s32 $0x4A00;
	v3 =	vperm.xlane v3, v2  }
0x3d: {  	[tilespmem:s25], [sflag:$0x1] =	stream.indirect_vreg.gather [hbm4b:s5+s3], $0x80, v4, vm0, $0xb8;
	[tilespmem:$0x18200] =	vst v63  }
0x3e: {  	s26 =	simm.s32 $0x5200;
	v3 =	vadd.s32 v1, v3  }
0x3f: {  	[tilespmem:s26], [sflag:$0x1] =	stream.indirect_vreg.gather [hbm4b:s6+s3], $0x80, v4, vm0, $0xb8;
	[tilespmem:$0x18200] =	vst v63  }
0x40: {  	s28 =	simm.s32 $0x5A00  }
0x41: {  	[tilespmem:s28], [sflag:$0x1] =	stream.indirect_vreg.gather [hbm4b:s7+s3], $0x80, v4, vm0, $0xb8;
	[tilespmem:$0x18200] =	vst v63  }
0x42: {  	s2 =	simm.s32 $0x6200  }
0x43: {  	[tilespmem:s2], [sflag:$0x1] =	stream.indirect_vreg.gather [hbm4b:s1+s3], $0x80, v3, vm0, $0xb8;
	[tilespmem:$0x18200] =	vst v63  }
0x44: {  	s9 =	simm.s32 $0x6A00  }
0x45: {  	[tilespmem:s9], [sflag:$0x1] =	stream.indirect_vreg.gather [hbm4b:s5+s3], $0x80, v3, vm0, $0xb8;
	[tilespmem:$0x18200] =	vst v63  }
0x46: {  	s13 =	simm.s32 $0x7200  }
0x47: {  	[tilespmem:s13], [sflag:$0x1] =	stream.indirect_vreg.gather [hbm4b:s6+s3], $0x80, v3, vm0, $0xb8;
	[tilespmem:$0x18200] =	vst v63  }
0x48: {  	s14 =	rddreg [dreg:$0x5];
	s9 =	simm.s32 $0x7A00  }
0x49: {  	[tilespmem:s9], [sflag:$0x1] =	stream.indirect_vreg.gather [hbm4b:s7+s3], $0x80, v3, vm0, $0xb8;
	[tilespmem:$0x18200] =	vst v63  }
0x4a: {  	s15 =	rddreg [dreg:$0x15]  }
0x4b: {  	[tilespmem:s15], [sflag:$0x3] =	stream.linear.gather [hbm4b:s14+s3], $0x1E0, $0x38;
	[tilespmem:$0x18200] =	vst v63  }
0x4c: {  	_ =	swait.ge [sflag:s4], $0x1E0  }
0x4d: {  	[sflag:s4] =	ssyncset.done $0x0  }
0x4e: {  	[sflag:s4] =	ssyncadd.s32 $0xFFFFFE20  }
0x4f: {  	v3 =	vld [tilespmem:$0x20];
	_ =	sdelay $0x4  }
0x50: {  	v34 =	vshll.u32 v3, $0x3  }
0x51: {  	v3 =	vand.u32 $0x7, v3;
	v4 =	vand.u32 $0xFFFFFFC0, v34  }
0x52: {  	v3 =	vor.u32 v3, v4  }
0x53: {  	v4 =	vperm.xlane v3, v0;
	_ =	sdelay $0x1  }
0x54: {  	v4 =	vadd.s32 v1, v4;
	_ =	sdelay $0x4  }
0x55: {  	[tilespmem:s30], [sflag:$0x1] =	stream.indirect_vreg.gather [hbm4b:s1+s3], $0x80, v4, vm0, $0xb8;
	[tilespmem:$0x18200] =	vst v63  }
0x56: {  	s17 =	simm.s32 $0x8A00;
	v3 =	vperm.xlane v3, v2  }
0x57: {  	[tilespmem:s17], [sflag:$0x1] =	stream.indirect_vreg.gather [hbm4b:s5+s3], $0x80, v4, vm0, $0xb8;
	[tilespmem:$0x18200] =	vst v63  }
0x58: {  	s18 =	simm.s32 $0x9200;
	v3 =	vadd.s32 v1, v3  }
0x59: {  	[tilespmem:s18], [sflag:$0x1] =	stream.indirect_vreg.gather [hbm4b:s6+s3], $0x80, v4, vm0, $0xb8;
	[tilespmem:$0x18200] =	vst v63  }
0x5a: {  	s19 =	simm.s32 $0x9A00  }
0x5b: {  	[tilespmem:s19], [sflag:$0x1] =	stream.indirect_vreg.gather [hbm4b:s7+s3], $0x80, v4, vm0, $0xb8;
	[tilespmem:$0x18200] =	vst v63  }
0x5c: {  	s20 =	simm.s32 $0xA200  }
0x5d: {  	[tilespmem:s20], [sflag:$0x1] =	stream.indirect_vreg.gather [hbm4b:s1+s3], $0x80, v3, vm0, $0xb8;
	[tilespmem:$0x18200] =	vst v63  }
0x5e: {  	s24 =	simm.s32 $0xAA00  }
0x5f: {  	[tilespmem:s24], [sflag:$0x1] =	stream.indirect_vreg.gather [hbm4b:s5+s3], $0x80, v3, vm0, $0xb8;
	[tilespmem:$0x18200] =	vst v63  }
0x60: {  	s25 =	simm.s32 $0xB200  }
0x61: {  	[tilespmem:s25], [sflag:$0x1] =	stream.indirect_vreg.gather [hbm4b:s6+s3], $0x80, v3, vm0, $0xb8;
	[tilespmem:$0x18200] =	vst v63  }
0x62: {  	s26 =	simm.s32 $0xBA00  }
0x63: {  	[tilespmem:s26], [sflag:$0x1] =	stream.indirect_vreg.gather [hbm4b:s7+s3], $0x80, v3, vm0, $0xb8;
	[tilespmem:$0x18200] =	vst v63  }
0x64: {  	v3 =	vld [tilespmem:$0x30];
	_ =	sdelay $0x4  }
0x65: {  	v35 =	vshll.u32 v3, $0x3  }
0x66: {  	v3 =	vand.u32 $0x7, v3;
	v4 =	vand.u32 $0xFFFFFFC0, v35  }
0x67: {  	v3 =	vor.u32 v3, v4  }
0x68: {  	v4 =	vperm.xlane v3, v0;
	_ =	sdelay $0x1  }
0x69: {  	v4 =	vadd.s32 v1, v4;
	_ =	sdelay $0x3  }
0x6a: {  	s2 =	simm.s32 $0xC200  }
0x6b: {  	[tilespmem:s2], [sflag:$0x1] =	stream.indirect_vreg.gather [hbm4b:s1+s3], $0x80, v4, vm0, $0xb8;
	[tilespmem:$0x18200] =	vst v63  }
0x6c: {  	s4 =	simm.s32 $0xCA00;
	v3 =	vperm.xlane v3, v2  }
0x6d: {  	[tilespmem:s4], [sflag:$0x1] =	stream.indirect_vreg.gather [hbm4b:s5+s3], $0x80, v4, vm0, $0xb8;
	[tilespmem:$0x18200] =	vst v63  }
0x6e: {  	s9 =	simm.s32 $0xD200;
	v3 =	vadd.s32 v1, v3  }
0x6f: {  	[tilespmem:s9], [sflag:$0x1] =	stream.indirect_vreg.gather [hbm4b:s6+s3], $0x80, v4, vm0, $0xb8;
	[tilespmem:$0x18200] =	vst v63  }
0x70: {  	s13 =	simm.s32 $0xDA00  }
0x71: {  	[tilespmem:s13], [sflag:$0x1] =	stream.indirect_vreg.gather [hbm4b:s7+s3], $0x80, v4, vm0, $0xb8;
	[tilespmem:$0x18200] =	vst v63  }
0x72: {  	s14 =	simm.s32 $0xE200  }
0x73: {  	[tilespmem:s14], [sflag:$0x1] =	stream.indirect_vreg.gather [hbm4b:s1+s3], $0x80, v3, vm0, $0xb8;
	[tilespmem:$0x18200] =	vst v63  }
0x74: {  	s15 =	simm.s32 $0xEA00  }
0x75: {  	[tilespmem:s15], [sflag:$0x1] =	stream.indirect_vreg.gather [hbm4b:s5+s3], $0x80, v3, vm0, $0xb8;
	[tilespmem:$0x18200] =	vst v63  }
0x76: {  	s24 =	simm.s32 $0xF200  }
0x77: {  	[tilespmem:s24], [sflag:$0x1] =	stream.indirect_vreg.gather [hbm4b:s6+s3], $0x80, v3, vm0, $0xb8;
	[tilespmem:$0x18200] =	vst v63  }
0x78: {  	s25 =	simm.s32 $0xFA00  }
0x79: {  	[tilespmem:s25], [sflag:$0x1] =	stream.indirect_vreg.gather [hbm4b:s7+s3], $0x80, v3, vm0, $0xb8;
	[tilespmem:$0x18200] =	vst v63  }
0x7a: {  	_ =	swait.ge [sflag:s29], $0x8000  }
0x7b: {  	[sflag:s29] =	ssyncset.done $0x0  }
0x7c: {  	[sflag:s29] =	ssyncadd.s32 $0xFFFF8000  }
0x7d: {  	v3 =	vld [tilespmem:$0x40];
	_ =	sdelay $0x4  }
0x7e: {  	v36 =	vshll.u32 v3, $0x3  }
0x7f: {  	v3 =	vand.u32 $0x7, v3;
	v4 =	vand.u32 $0xFFFFFFC0, v36  }
0x80: {  	v3 =	vor.u32 v3, v4  }
0x81: {  	v4 =	vperm.xlane v3, v0;
	_ =	sdelay $0x1  }
0x82: {  	v4 =	vadd.s32 v1, v4;
	_ =	sdelay $0x4  }
0x83: {  	[tilespmem:s10], [sflag:$0x1] =	stream.indirect_vreg.gather [hbm4b:s1+s3], $0x80, v4, vm0, $0xb8;
	[tilespmem:$0x18200] =	vst v63  }
0x84: {  	s26 =	simm.s32 $0x10A00;
	v3 =	vperm.xlane v3, v2  }
0x85: {  	[tilespmem:s26], [sflag:$0x1] =	stream.indirect_vreg.gather [hbm4b:s5+s3], $0x80, v4, vm0, $0xb8;
	[tilespmem:$0x18200] =	vst v63  }
0x86: {  	s2 =	simm.s32 $0x11200;
	v3 =	vadd.s32 v1, v3  }
0x87: {  	[tilespmem:s2], [sflag:$0x1] =	stream.indirect_vreg.gather [hbm4b:s6+s3], $0x80, v4, vm0, $0xb8;
	[tilespmem:$0x18200] =	vst v63  }
0x88: {  	s4 =	simm.s32 $0x11A00  }
0x89: {  	[tilespmem:s4], [sflag:$0x1] =	stream.indirect_vreg.gather [hbm4b:s7+s3], $0x80, v4, vm0, $0xb8;
	[tilespmem:$0x18200] =	vst v63  }
0x8a: {  	s9 =	simm.s32 $0x12200  }
0x8b: {  	[tilespmem:s9], [sflag:$0x1] =	stream.indirect_vreg.gather [hbm4b:s1+s3], $0x80, v3, vm0, $0xb8;
	[tilespmem:$0x18200] =	vst v63  }
0x8c: {  	s13 =	simm.s32 $0x12A00  }
0x8d: {  	[tilespmem:s13], [sflag:$0x1] =	stream.indirect_vreg.gather [hbm4b:s5+s3], $0x80, v3, vm0, $0xb8;
	[tilespmem:$0x18200] =	vst v63  }
0x8e: {  	s14 =	simm.s32 $0x13200  }
0x8f: {  	[tilespmem:s14], [sflag:$0x1] =	stream.indirect_vreg.gather [hbm4b:s6+s3], $0x80, v3, vm0, $0xb8;
	[tilespmem:$0x18200] =	vst v63  }
0x90: {  	s15 =	simm.s32 $0x13A00  }
0x91: {  	[tilespmem:s15], [sflag:$0x1] =	stream.indirect_vreg.gather [hbm4b:s7+s3], $0x80, v3, vm0, $0xb8;
	[tilespmem:$0x18200] =	vst v63  }
0x92: {  	v3 =	vld [tilespmem:$0x50];
	_ =	sdelay $0x4  }
0x93: {  	v37 =	vshll.u32 v3, $0x3  }
0x94: {  	v3 =	vand.u32 $0x7, v3;
	v4 =	vand.u32 $0xFFFFFFC0, v37  }
0x95: {  	v3 =	vor.u32 v3, v4  }
0x96: {  	v4 =	vperm.xlane v3, v0;
	_ =	sdelay $0x1  }
0x97: {  	v4 =	vadd.s32 v1, v4;
	_ =	sdelay $0x3  }
0x98: {  	s24 =	simm.s32 $0x14200  }
0x99: {  	[tilespmem:s24], [sflag:$0x1] =	stream.indirect_vreg.gather [hbm4b:s1+s3], $0x80, v4, vm0, $0xb8;
	[tilespmem:$0x18200] =	vst v63  }
0x9a: {  	s25 =	simm.s32 $0x14A00;
	v3 =	vperm.xlane v3, v2  }
0x9b: {  	[tilespmem:s25], [sflag:$0x1] =	stream.indirect_vreg.gather [hbm4b:s5+s3], $0x80, v4, vm0, $0xb8;
	[tilespmem:$0x18200] =	vst v63  }
0x9c: {  	s26 =	simm.s32 $0x15200;
	v3 =	vadd.s32 v1, v3  }
0x9d: {  	[tilespmem:s26], [sflag:$0x1] =	stream.indirect_vreg.gather [hbm4b:s6+s3], $0x80, v4, vm0, $0xb8;
	[tilespmem:$0x18200] =	vst v63  }
0x9e: {  	s2 =	simm.s32 $0x15A00  }
0x9f: {  	[tilespmem:s2], [sflag:$0x1] =	stream.indirect_vreg.gather [hbm4b:s7+s3], $0x80, v4, vm0, $0xb8;
	[tilespmem:$0x18200] =	vst v63  }
0xa0: {  	s4 =	simm.s32 $0x16200  }
0xa1: {  	[tilespmem:s4], [sflag:$0x1] =	stream.indirect_vreg.gather [hbm4b:s1+s3], $0x80, v3, vm0, $0xb8;
	[tilespmem:$0x18200] =	vst v63  }
0xa2: {  	s9 =	simm.s32 $0x16A00  }
0xa3: {  	[tilespmem:s9], [sflag:$0x1] =	stream.indirect_vreg.gather [hbm4b:s5+s3], $0x80, v3, vm0, $0xb8;
	[tilespmem:$0x18200] =	vst v63  }
0xa4: {  	s13 =	simm.s32 $0x17200  }
0xa5: {  	[tilespmem:s13], [sflag:$0x1] =	stream.indirect_vreg.gather [hbm4b:s6+s3], $0x80, v3, vm0, $0xb8;
	[tilespmem:$0x18200] =	vst v63  }
0xa6: {  	s14 =	simm.s32 $0x17A00  }
0xa7: {  	[tilespmem:s14], [sflag:$0x1] =	stream.indirect_vreg.gather [hbm4b:s7+s3], $0x80, v3, vm0, $0xb8;
	[tilespmem:$0x18200] =	vst v63  }
0xa8: {  	s15 =	rddreg [dreg:$0x16]  }
0xa9: {  	[hbm4b:s15+s3] =	stream.linear.scatter [tilespmem:s16], [sflag:$0x2], $0x8000, $0x38;
	[tilespmem:$0x18200] =	vst v63  }
0xaa: {  	_ =	swait.ge [sflag:s29], $0x8000  }
0xab: {  	[sflag:s29] =	ssyncset.done $0x0  }
0xac: {  	[sflag:s29] =	ssyncadd.s32 $0xFFFF8000  }
0xad: {  	_ =	swait.ge [sflag:s31], $0x8000  }
0xae: {  	[sflag:s31] =	ssyncset.done $0x0  }
0xaf: {  	[sflag:s31] =	ssyncadd.s32 $0xFFFF8000  }
0xb0: {  	v3 =	vld [tilespmem:$0x60];
	_ =	sdelay $0x4  }
0xb1: {  	v38 =	vshll.u32 v3, $0x3  }
0xb2: {  	v3 =	vand.u32 $0x7, v3;
	v4 =	vand.u32 $0xFFFFFFC0, v38  }
0xb3: {  	v3 =	vor.u32 v3, v4  }
0xb4: {  	v4 =	vperm.xlane v3, v0;
	_ =	sdelay $0x1  }
0xb5: {  	v4 =	vadd.s32 v1, v4;
	_ =	sdelay $0x4  }
0xb6: {  	[tilespmem:s16], [sflag:$0x1] =	stream.indirect_vreg.gather [hbm4b:s1+s3], $0x80, v4, vm0, $0xb8;
	[tilespmem:$0x18200] =	vst v63  }
0xb7: {  	s11 =	simm.s32 $0xA00;
	v3 =	vperm.xlane v3, v2  }
0xb8: {  	[tilespmem:s11], [sflag:$0x1] =	stream.indirect_vreg.gather [hbm4b:s5+s3], $0x80, v4, vm0, $0xb8;
	[tilespmem:$0x18200] =	vst v63  }
0xb9: {  	s2 =	simm.s32 $0x1200;
	v3 =	vadd.s32 v1, v3  }
0xba: {  	[tilespmem:s2], [sflag:$0x1] =	stream.indirect_vreg.gather [hbm4b:s6+s3], $0x80, v4, vm0, $0xb8;
	[tilespmem:$0x18200] =	vst v63  }
0xbb: {  	s4 =	simm.s32 $0x1A00  }
0xbc: {  	[tilespmem:s4], [sflag:$0x1] =	stream.indirect_vreg.gather [hbm4b:s7+s3], $0x80, v4, vm0, $0xb8;
	[tilespmem:$0x18200] =	vst v63  }
0xbd: {  	s26 =	simm.s32 $0x2200  }
0xbe: {  	[tilespmem:s26], [sflag:$0x1] =	stream.indirect_vreg.gather [hbm4b:s1+s3], $0x80, v3, vm0, $0xb8;
	[tilespmem:$0x18200] =	vst v63  }
0xbf: {  	s24 =	simm.s32 $0x2A00  }
0xc0: {  	[tilespmem:s24], [sflag:$0x1] =	stream.indirect_vreg.gather [hbm4b:s5+s3], $0x80, v3, vm0, $0xb8;
	[tilespmem:$0x18200] =	vst v63  }
0xc1: {  	s25 =	simm.s32 $0x3200  }
0xc2: {  	[tilespmem:s25], [sflag:$0x1] =	stream.indirect_vreg.gather [hbm4b:s6+s3], $0x80, v3, vm0, $0xb8;
	[tilespmem:$0x18200] =	vst v63  }
0xc3: {  	s12 =	simm.s32 $0x3A00  }
0xc4: {  	[tilespmem:s12], [sflag:$0x1] =	stream.indirect_vreg.gather [hbm4b:s7+s3], $0x80, v3, vm0, $0xb8;
	[tilespmem:$0x18200] =	vst v63  }
0xc5: {  	v3 =	vld [tilespmem:$0x70];
	_ =	sdelay $0x4  }
0xc6: {  	v39 =	vshll.u32 v3, $0x3  }
0xc7: {  	v3 =	vand.u32 $0x7, v3;
	v4 =	vand.u32 $0xFFFFFFC0, v39  }
0xc8: {  	v3 =	vor.u32 v3, v4  }
0xc9: {  	v4 =	vperm.xlane v3, v0;
	_ =	sdelay $0x1  }
0xca: {  	v4 =	vadd.s32 v1, v4;
	_ =	sdelay $0x3  }
0xcb: {  	s23 =	simm.s32 $0x4200  }
0xcc: {  	[tilespmem:s23], [sflag:$0x1] =	stream.indirect_vreg.gather [hbm4b:s1+s3], $0x80, v4, vm0, $0xb8;
	[tilespmem:$0x18200] =	vst v63  }
0xcd: {  	s13 =	simm.s32 $0x4A00;
	v3 =	vperm.xlane v3, v2  }
0xce: {  	[tilespmem:s13], [sflag:$0x1] =	stream.indirect_vreg.gather [hbm4b:s5+s3], $0x80, v4, vm0, $0xb8;
	[tilespmem:$0x18200] =	vst v63  }
0xcf: {  	v3 =	vadd.s32 v1, v3;
	s23 =	simm.s32 $0x5200  }
0xd0: {  	[tilespmem:s23], [sflag:$0x1] =	stream.indirect_vreg.gather [hbm4b:s6+s3], $0x80, v4, vm0, $0xb8;
	[tilespmem:$0x18200] =	vst v63  }
0xd1: {  	s9 =	simm.s32 $0x5A00  }
0xd2: {  	[tilespmem:s9], [sflag:$0x1] =	stream.indirect_vreg.gather [hbm4b:s7+s3], $0x80, v4, vm0, $0xb8;
	[tilespmem:$0x18200] =	vst v63  }
0xd3: {  	s11 =	simm.s32 $0x6200  }
0xd4: {  	[tilespmem:s11], [sflag:$0x1] =	stream.indirect_vreg.gather [hbm4b:s1+s3], $0x80, v3, vm0, $0xb8;
	[tilespmem:$0x18200] =	vst v63  }
0xd5: {  	s12 =	simm.s32 $0x6A00  }
0xd6: {  	[tilespmem:s12], [sflag:$0x1] =	stream.indirect_vreg.gather [hbm4b:s5+s3], $0x80, v3, vm0, $0xb8;
	[tilespmem:$0x18200] =	vst v63  }
0xd7: {  	s14 =	simm.s32 $0x7200  }
0xd8: {  	[tilespmem:s14], [sflag:$0x1] =	stream.indirect_vreg.gather [hbm4b:s6+s3], $0x80, v3, vm0, $0xb8;
	[tilespmem:$0x18200] =	vst v63  }
0xd9: {  	s15 =	simm.s32 $0x7A00  }
0xda: {  	[tilespmem:s15], [sflag:$0x1] =	stream.indirect_vreg.gather [hbm4b:s7+s3], $0x80, v3, vm0, $0xb8;
	[tilespmem:$0x18200] =	vst v63  }
0xdb: {  	s0 =	rddreg [dreg:$0x6]  }
0xdc: {  	[hbm4b:s0+s3] =	stream.linear.scatter [tilespmem:s30], [sflag:$0x2], $0x8000, $0x38;
	[tilespmem:$0x18200] =	vst v63  }
0xdd: {  	_ =	swait.ge [sflag:s29], $0x8000  }
0xde: {  	[sflag:s29] =	ssyncset.done $0x0  }
0xdf: {  	[sflag:s29] =	ssyncadd.s32 $0xFFFF8000  }
0xe0: {  	_ =	swait.ge [sflag:s31], $0x8000  }
0xe1: {  	[sflag:s31] =	ssyncset.done $0x0  }
0xe2: {  	[sflag:s31] =	ssyncadd.s32 $0xFFFF8000  }
0xe3: {  	v3 =	vld [tilespmem:$0x80];
	_ =	sdelay $0x4  }
0xe4: {  	v40 =	vshll.u32 v3, $0x3  }
0xe5: {  	v3 =	vand.u32 $0x7, v3;
	v4 =	vand.u32 $0xFFFFFFC0, v40  }
0xe6: {  	v3 =	vor.u32 v3, v4  }
0xe7: {  	v4 =	vperm.xlane v3, v0;
	_ =	sdelay $0x1  }
0xe8: {  	v4 =	vadd.s32 v1, v4;
	_ =	sdelay $0x4  }
0xe9: {  	[tilespmem:s30], [sflag:$0x1] =	stream.indirect_vreg.gather [hbm4b:s1+s3], $0x80, v4, vm0, $0xb8;
	[tilespmem:$0x18200] =	vst v63  }
0xea: {  	s17 =	simm.s32 $0x8A00;
	v3 =	vperm.xlane v3, v2  }
0xeb: {  	[tilespmem:s17], [sflag:$0x1] =	stream.indirect_vreg.gather [hbm4b:s5+s3], $0x80, v4, vm0, $0xb8;
	[tilespmem:$0x18200] =	vst v63  }
0xec: {  	s21 =	simm.s32 $0x9200;
	v3 =	vadd.s32 v1, v3  }
0xed: {  	[tilespmem:s21], [sflag:$0x1] =	stream.indirect_vreg.gather [hbm4b:s6+s3], $0x80, v4, vm0, $0xb8;
	[tilespmem:$0x18200] =	vst v63  }
0xee: {  	s22 =	simm.s32 $0x9A00  }
0xef: {  	[tilespmem:s22], [sflag:$0x1] =	stream.indirect_vreg.gather [hbm4b:s7+s3], $0x80, v4, vm0, $0xb8;
	[tilespmem:$0x18200] =	vst v63  }
0xf0: {  	s28 =	simm.s32 $0xA200  }
0xf1: {  	[tilespmem:s28], [sflag:$0x1] =	stream.indirect_vreg.gather [hbm4b:s1+s3], $0x80, v3, vm0, $0xb8;
	[tilespmem:$0x18200] =	vst v63  }
0xf2: {  	s22 =	simm.s32 $0xAA00  }
0xf3: {  	[tilespmem:s22], [sflag:$0x1] =	stream.indirect_vreg.gather [hbm4b:s5+s3], $0x80, v3, vm0, $0xb8;
	[tilespmem:$0x18200] =	vst v63  }
0xf4: {  	s28 =	simm.s32 $0xB200  }
0xf5: {  	[tilespmem:s28], [sflag:$0x1] =	stream.indirect_vreg.gather [hbm4b:s6+s3], $0x80, v3, vm0, $0xb8;
	[tilespmem:$0x18200] =	vst v63  }
0xf6: {  	s18 =	simm.s32 $0xBA00  }
0xf7: {  	[tilespmem:s18], [sflag:$0x1] =	stream.indirect_vreg.gather [hbm4b:s7+s3], $0x80, v3, vm0, $0xb8;
	[tilespmem:$0x18200] =	vst v63  }
0xf8: {  	v3 =	vld [tilespmem:$0x90];
	_ =	sdelay $0x4  }
0xf9: {  	v41 =	vshll.u32 v3, $0x3  }
0xfa: {  	v3 =	vand.u32 $0x7, v3;
	v4 =	vand.u32 $0xFFFFFFC0, v41  }
0xfb: {  	v3 =	vor.u32 v3, v4  }
0xfc: {  	v4 =	vperm.xlane v3, v0;
	_ =	sdelay $0x1  }
0xfd: {  	v4 =	vadd.s32 v1, v4;
	_ =	sdelay $0x3  }
0xfe: {  	s19 =	simm.s32 $0xC200  }
0xff: {  	[tilespmem:s19], [sflag:$0x1] =	stream.indirect_vreg.gather [hbm4b:s1+s3], $0x80, v4, vm0, $0xb8;
	[tilespmem:$0x18200] =	vst v63  }
0x100: {  	s20 =	simm.s32 $0xCA00;
	v3 =	vperm.xlane v3, v2  }
0x101: {  	[tilespmem:s20], [sflag:$0x1] =	stream.indirect_vreg.gather [hbm4b:s5+s3], $0x80, v4, vm0, $0xb8;
	[tilespmem:$0x18200] =	vst v63  }
0x102: {  	s17 =	simm.s32 $0xD200;
	v3 =	vadd.s32 v1, v3  }
0x103: {  	[tilespmem:s17], [sflag:$0x1] =	stream.indirect_vreg.gather [hbm4b:s6+s3], $0x80, v4, vm0, $0xb8;
	[tilespmem:$0x18200] =	vst v63  }
0x104: {  	s18 =	simm.s32 $0xDA00  }
0x105: {  	[tilespmem:s18], [sflag:$0x1] =	stream.indirect_vreg.gather [hbm4b:s7+s3], $0x80, v4, vm0, $0xb8;
	[tilespmem:$0x18200] =	vst v63  }
0x106: {  	s19 =	simm.s32 $0xE200  }
0x107: {  	[tilespmem:s19], [sflag:$0x1] =	stream.indirect_vreg.gather [hbm4b:s1+s3], $0x80, v3, vm0, $0xb8;
	[tilespmem:$0x18200] =	vst v63  }
0x108: {  	s20 =	simm.s32 $0xEA00  }
0x109: {  	[tilespmem:s20], [sflag:$0x1] =	stream.indirect_vreg.gather [hbm4b:s5+s3], $0x80, v3, vm0, $0xb8;
	[tilespmem:$0x18200] =	vst v63  }
0x10a: {  	s21 =	simm.s32 $0xF200  }
0x10b: {  	[tilespmem:s21], [sflag:$0x1] =	stream.indirect_vreg.gather [hbm4b:s6+s3], $0x80, v3, vm0, $0xb8;
	[tilespmem:$0x18200] =	vst v63  }
0x10c: {  	s28 =	simm.s32 $0xFA00  }
0x10d: {  	[tilespmem:s28], [sflag:$0x1] =	stream.indirect_vreg.gather [hbm4b:s7+s3], $0x80, v3, vm0, $0xb8;
	[tilespmem:$0x18200] =	vst v63  }
0x10e: {  	s22 =	rddreg [dreg:$0x7]  }
0x10f: {  	[hbm4b:s22+s3] =	stream.linear.scatter [tilespmem:s10], [sflag:$0x2], $0x8000, $0x38;
	[tilespmem:$0x18200] =	vst v63  }
0x110: {  	_ =	swait.ge [sflag:s29], $0x8000  }
0x111: {  	[sflag:s29] =	ssyncset.done $0x0  }
0x112: {  	[sflag:s29] =	ssyncadd.s32 $0xFFFF8000  }
0x113: {  	_ =	swait.ge [sflag:s31], $0x8000  }
0x114: {  	[sflag:s31] =	ssyncset.done $0x0  }
0x115: {  	[sflag:s31] =	ssyncadd.s32 $0xFFFF8000  }
0x116: {  	v3 =	vld [tilespmem:$0xA0];
	_ =	sdelay $0x4  }
0x117: {  	v42 =	vshll.u32 v3, $0x3  }
0x118: {  	v3 =	vand.u32 $0x7, v3;
	v4 =	vand.u32 $0xFFFFFFC0, v42  }
0x119: {  	v3 =	vor.u32 v3, v4  }
0x11a: {  	v4 =	vperm.xlane v3, v0;
	_ =	sdelay $0x1  }
0x11b: {  	v4 =	vadd.s32 v1, v4;
	_ =	sdelay $0x4  }
0x11c: {  	[tilespmem:s10], [sflag:$0x1] =	stream.indirect_vreg.gather [hbm4b:s1+s3], $0x80, v4, vm0, $0xb8;
	[tilespmem:$0x18200] =	vst v63  }
0x11d: {  	s18 =	simm.s32 $0x10A00;
	v3 =	vperm.xlane v3, v2  }
0x11e: {  	[tilespmem:s18], [sflag:$0x1] =	stream.indirect_vreg.gather [hbm4b:s5+s3], $0x80, v4, vm0, $0xb8;
	[tilespmem:$0x18200] =	vst v63  }
0x11f: {  	s19 =	simm.s32 $0x11200;
	v3 =	vadd.s32 v1, v3  }
0x120: {  	[tilespmem:s19], [sflag:$0x1] =	stream.indirect_vreg.gather [hbm4b:s6+s3], $0x80, v4, vm0, $0xb8;
	[tilespmem:$0x18200] =	vst v63  }
0x121: {  	s20 =	simm.s32 $0x11A00  }
0x122: {  	[tilespmem:s20], [sflag:$0x1] =	stream.indirect_vreg.gather [hbm4b:s7+s3], $0x80, v4, vm0, $0xb8;
	[tilespmem:$0x18200] =	vst v63  }
0x123: {  	s21 =	simm.s32 $0x12200  }
0x124: {  	[tilespmem:s21], [sflag:$0x1] =	stream.indirect_vreg.gather [hbm4b:s1+s3], $0x80, v3, vm0, $0xb8;
	[tilespmem:$0x18200] =	vst v63  }
0x125: {  	s28 =	simm.s32 $0x12A00  }
0x126: {  	[tilespmem:s28], [sflag:$0x1] =	stream.indirect_vreg.gather [hbm4b:s5+s3], $0x80, v3, vm0, $0xb8;
	[tilespmem:$0x18200] =	vst v63  }
0x127: {  	s17 =	simm.s32 $0x13200  }
0x128: {  	[tilespmem:s17], [sflag:$0x1] =	stream.indirect_vreg.gather [hbm4b:s6+s3], $0x80, v3, vm0, $0xb8;
	[tilespmem:$0x18200] =	vst v63  }
0x129: {  	s18 =	simm.s32 $0x13A00  }
0x12a: {  	[tilespmem:s18], [sflag:$0x1] =	stream.indirect_vreg.gather [hbm4b:s7+s3], $0x80, v3, vm0, $0xb8;
	[tilespmem:$0x18200] =	vst v63  }
0x12b: {  	v3 =	vld [tilespmem:$0xB0];
	_ =	sdelay $0x4  }
0x12c: {  	v43 =	vshll.u32 v3, $0x3  }
0x12d: {  	v3 =	vand.u32 $0x7, v3;
	v4 =	vand.u32 $0xFFFFFFC0, v43  }
0x12e: {  	v3 =	vor.u32 v3, v4  }
0x12f: {  	v4 =	vperm.xlane v3, v0;
	_ =	sdelay $0x1  }
0x130: {  	v4 =	vadd.s32 v1, v4;
	_ =	sdelay $0x3  }
0x131: {  	s20 =	simm.s32 $0x14200  }
0x132: {  	[tilespmem:s20], [sflag:$0x1] =	stream.indirect_vreg.gather [hbm4b:s1+s3], $0x80, v4, vm0, $0xb8;
	[tilespmem:$0x18200] =	vst v63  }
0x133: {  	s21 =	simm.s32 $0x14A00;
	v3 =	vperm.xlane v3, v2  }
0x134: {  	[tilespmem:s21], [sflag:$0x1] =	stream.indirect_vreg.gather [hbm4b:s5+s3], $0x80, v4, vm0, $0xb8;
	[tilespmem:$0x18200] =	vst v63  }
0x135: {  	s28 =	simm.s32 $0x15200;
	v3 =	vadd.s32 v1, v3  }
0x136: {  	[tilespmem:s28], [sflag:$0x1] =	stream.indirect_vreg.gather [hbm4b:s6+s3], $0x80, v4, vm0, $0xb8;
	[tilespmem:$0x18200] =	vst v63  }
0x137: {  	s17 =	simm.s32 $0x15A00  }
0x138: {  	[tilespmem:s17], [sflag:$0x1] =	stream.indirect_vreg.gather [hbm4b:s7+s3], $0x80, v4, vm0, $0xb8;
	[tilespmem:$0x18200] =	vst v63  }
0x139: {  	s18 =	simm.s32 $0x16200  }
0x13a: {  	[tilespmem:s18], [sflag:$0x1] =	stream.indirect_vreg.gather [hbm4b:s1+s3], $0x80, v3, vm0, $0xb8;
	[tilespmem:$0x18200] =	vst v63  }
0x13b: {  	s20 =	simm.s32 $0x16A00  }
0x13c: {  	[tilespmem:s20], [sflag:$0x1] =	stream.indirect_vreg.gather [hbm4b:s5+s3], $0x80, v3, vm0, $0xb8;
	[tilespmem:$0x18200] =	vst v63  }
0x13d: {  	s21 =	simm.s32 $0x17200  }
0x13e: {  	[tilespmem:s21], [sflag:$0x1] =	stream.indirect_vreg.gather [hbm4b:s6+s3], $0x80, v3, vm0, $0xb8;
	[tilespmem:$0x18200] =	vst v63  }
0x13f: {  	s18 =	simm.s32 $0x17A00  }
0x140: {  	[tilespmem:s18], [sflag:$0x1] =	stream.indirect_vreg.gather [hbm4b:s7+s3], $0x80, v3, vm0, $0xb8;
	[tilespmem:$0x18200] =	vst v63  }
0x141: {  	s28 =	rddreg [dreg:$0x8]  }
0x142: {  	[hbm4b:s28+s3] =	stream.linear.scatter [tilespmem:s16], [sflag:$0x2], $0x8000, $0x38;
	[tilespmem:$0x18200] =	vst v63  }
0x143: {  	_ =	swait.ge [sflag:s29], $0x8000  }
0x144: {  	[sflag:s29] =	ssyncset.done $0x0  }
0x145: {  	[sflag:s29] =	ssyncadd.s32 $0xFFFF8000  }
0x146: {  	_ =	swait.ge [sflag:s31], $0x8000  }
0x147: {  	[sflag:s31] =	ssyncset.done $0x0  }
0x148: {  	[sflag:s31] =	ssyncadd.s32 $0xFFFF8000  }
0x149: {  	v3 =	vld [tilespmem:$0xC0];
	_ =	sdelay $0x4  }
0x14a: {  	v44 =	vshll.u32 v3, $0x3  }
0x14b: {  	v3 =	vand.u32 $0x7, v3;
	v4 =	vand.u32 $0xFFFFFFC0, v44  }
0x14c: {  	v3 =	vor.u32 v3, v4  }
0x14d: {  	v4 =	vperm.xlane v3, v0;
	_ =	sdelay $0x1  }
0x14e: {  	v4 =	vadd.s32 v1, v4;
	_ =	sdelay $0x4  }
0x14f: {  	[tilespmem:s16], [sflag:$0x1] =	stream.indirect_vreg.gather [hbm4b:s1+s3], $0x80, v4, vm0, $0xb8;
	[tilespmem:$0x18200] =	vst v63  }
0x150: {  	s20 =	simm.s32 $0xA00;
	v3 =	vperm.xlane v3, v2  }
0x151: {  	[tilespmem:s20], [sflag:$0x1] =	stream.indirect_vreg.gather [hbm4b:s5+s3], $0x80, v4, vm0, $0xb8;
	[tilespmem:$0x18200] =	vst v63  }
0x152: {  	v3 =	vadd.s32 v1, v3  }
0x153: {  	[tilespmem:s2], [sflag:$0x1] =	stream.indirect_vreg.gather [hbm4b:s6+s3], $0x80, v4, vm0, $0xb8;
	[tilespmem:$0x18200] =	vst v63  }
0x154: {  	_ = 	snop  }
0x155: {  	[tilespmem:s4], [sflag:$0x1] =	stream.indirect_vreg.gather [hbm4b:s7+s3], $0x80, v4, vm0, $0xb8;
	[tilespmem:$0x18200] =	vst v63  }
0x156: {  	_ = 	snop  }
0x157: {  	[tilespmem:s26], [sflag:$0x1] =	stream.indirect_vreg.gather [hbm4b:s1+s3], $0x80, v3, vm0, $0xb8;
	[tilespmem:$0x18200] =	vst v63  }
0x158: {  	_ = 	snop  }
0x159: {  	[tilespmem:s24], [sflag:$0x1] =	stream.indirect_vreg.gather [hbm4b:s5+s3], $0x80, v3, vm0, $0xb8;
	[tilespmem:$0x18200] =	vst v63  }
0x15a: {  	_ = 	snop  }
0x15b: {  	[tilespmem:s25], [sflag:$0x1] =	stream.indirect_vreg.gather [hbm4b:s6+s3], $0x80, v3, vm0, $0xb8;
	[tilespmem:$0x18200] =	vst v63  }
0x15c: {  	s21 =	simm.s32 $0x3A00  }
0x15d: {  	[tilespmem:s21], [sflag:$0x1] =	stream.indirect_vreg.gather [hbm4b:s7+s3], $0x80, v3, vm0, $0xb8;
	[tilespmem:$0x18200] =	vst v63  }
0x15e: {  	v3 =	vld [tilespmem:$0xD0];
	_ =	sdelay $0x4  }
0x15f: {  	v45 =	vshll.u32 v3, $0x3  }
0x160: {  	v3 =	vand.u32 $0x7, v3;
	v4 =	vand.u32 $0xFFFFFFC0, v45  }
0x161: {  	v3 =	vor.u32 v3, v4  }
0x162: {  	v4 =	vperm.xlane v3, v0;
	_ =	sdelay $0x1  }
0x163: {  	v4 =	vadd.s32 v1, v4;
	_ =	sdelay $0x3  }
0x164: {  	s25 =	simm.s32 $0x4200  }
0x165: {  	[tilespmem:s25], [sflag:$0x1] =	stream.indirect_vreg.gather [hbm4b:s1+s3], $0x80, v4, vm0, $0xb8;
	[tilespmem:$0x18200] =	vst v63  }
0x166: {  	v3 =	vperm.xlane v3, v2  }
0x167: {  	[tilespmem:s13], [sflag:$0x1] =	stream.indirect_vreg.gather [hbm4b:s5+s3], $0x80, v4, vm0, $0xb8;
	[tilespmem:$0x18200] =	vst v63  }
0x168: {  	v3 =	vadd.s32 v1, v3  }
0x169: {  	[tilespmem:s23], [sflag:$0x1] =	stream.indirect_vreg.gather [hbm4b:s6+s3], $0x80, v4, vm0, $0xb8;
	[tilespmem:$0x18200] =	vst v63  }
0x16a: {  	_ = 	snop  }
0x16b: {  	[tilespmem:s9], [sflag:$0x1] =	stream.indirect_vreg.gather [hbm4b:s7+s3], $0x80, v4, vm0, $0xb8;
	[tilespmem:$0x18200] =	vst v63  }
0x16c: {  	_ = 	snop  }
0x16d: {  	[tilespmem:s11], [sflag:$0x1] =	stream.indirect_vreg.gather [hbm4b:s1+s3], $0x80, v3, vm0, $0xb8;
	[tilespmem:$0x18200] =	vst v63  }
0x16e: {  	_ = 	snop  }
0x16f: {  	[tilespmem:s12], [sflag:$0x1] =	stream.indirect_vreg.gather [hbm4b:s5+s3], $0x80, v3, vm0, $0xb8;
	[tilespmem:$0x18200] =	vst v63  }
0x170: {  	_ = 	snop  }
0x171: {  	[tilespmem:s14], [sflag:$0x1] =	stream.indirect_vreg.gather [hbm4b:s6+s3], $0x80, v3, vm0, $0xb8;
	[tilespmem:$0x18200] =	vst v63  }
0x172: {  	_ = 	snop  }
0x173: {  	[tilespmem:s15], [sflag:$0x1] =	stream.indirect_vreg.gather [hbm4b:s7+s3], $0x80, v3, vm0, $0xb8;
	[tilespmem:$0x18200] =	vst v63  }
0x174: {  	s26 =	rddreg [dreg:$0x9]  }
0x175: {  	[hbm4b:s26+s3] =	stream.linear.scatter [tilespmem:s30], [sflag:$0x2], $0x8000, $0x38;
	[tilespmem:$0x18200] =	vst v63  }
0x176: {  	_ =	swait.ge [sflag:s29], $0x8000  }
0x177: {  	[sflag:s29] =	ssyncset.done $0x0  }
0x178: {  	[sflag:s29] =	ssyncadd.s32 $0xFFFF8000  }
0x179: {  	_ =	swait.ge [sflag:s31], $0x8000  }
0x17a: {  	[sflag:s31] =	ssyncset.done $0x0  }
0x17b: {  	[sflag:s31] =	ssyncadd.s32 $0xFFFF8000  }
0x17c: {  	v3 =	vld [tilespmem:$0xE0];
	_ =	sdelay $0x4  }
0x17d: {  	v46 =	vshll.u32 v3, $0x3  }
0x17e: {  	v3 =	vand.u32 $0x7, v3;
	v4 =	vand.u32 $0xFFFFFFC0, v46  }
0x17f: {  	v3 =	vor.u32 v3, v4  }
0x180: {  	v4 =	vperm.xlane v3, v0;
	_ =	sdelay $0x1  }
0x181: {  	v4 =	vadd.s32 v1, v4;
	_ =	sdelay $0x4  }
0x182: {  	[tilespmem:s30], [sflag:$0x1] =	stream.indirect_vreg.gather [hbm4b:s1+s3], $0x80, v4, vm0, $0xb8;
	[tilespmem:$0x18200] =	vst v63  }
0x183: {  	s26 =	simm.s32 $0x8A00;
	v3 =	vperm.xlane v3, v2  }
0x184: {  	[tilespmem:s26], [sflag:$0x1] =	stream.indirect_vreg.gather [hbm4b:s5+s3], $0x80, v4, vm0, $0xb8;
	[tilespmem:$0x18200] =	vst v63  }
0x185: {  	s15 =	simm.s32 $0x9200;
	v3 =	vadd.s32 v1, v3  }
0x186: {  	[tilespmem:s15], [sflag:$0x1] =	stream.indirect_vreg.gather [hbm4b:s6+s3], $0x80, v4, vm0, $0xb8;
	[tilespmem:$0x18200] =	vst v63  }
0x187: {  	s26 =	simm.s32 $0x9A00  }
0x188: {  	[tilespmem:s26], [sflag:$0x1] =	stream.indirect_vreg.gather [hbm4b:s7+s3], $0x80, v4, vm0, $0xb8;
	[tilespmem:$0x18200] =	vst v63  }
0x189: {  	s15 =	simm.s32 $0xA200  }
0x18a: {  	[tilespmem:s15], [sflag:$0x1] =	stream.indirect_vreg.gather [hbm4b:s1+s3], $0x80, v3, vm0, $0xb8;
	[tilespmem:$0x18200] =	vst v63  }
0x18b: {  	s26 =	simm.s32 $0xAA00  }
0x18c: {  	[tilespmem:s26], [sflag:$0x1] =	stream.indirect_vreg.gather [hbm4b:s5+s3], $0x80, v3, vm0, $0xb8;
	[tilespmem:$0x18200] =	vst v63  }
0x18d: {  	s15 =	simm.s32 $0xB200  }
0x18e: {  	[tilespmem:s15], [sflag:$0x1] =	stream.indirect_vreg.gather [hbm4b:s6+s3], $0x80, v3, vm0, $0xb8;
	[tilespmem:$0x18200] =	vst v63  }
0x18f: {  	s26 =	simm.s32 $0xBA00  }
0x190: {  	[tilespmem:s26], [sflag:$0x1] =	stream.indirect_vreg.gather [hbm4b:s7+s3], $0x80, v3, vm0, $0xb8;
	[tilespmem:$0x18200] =	vst v63  }
0x191: {  	v3 =	vld [tilespmem:$0xF0];
	_ =	sdelay $0x4  }
0x192: {  	v47 =	vshll.u32 v3, $0x3  }
0x193: {  	v3 =	vand.u32 $0x7, v3;
	v4 =	vand.u32 $0xFFFFFFC0, v47  }
0x194: {  	v3 =	vor.u32 v3, v4  }
0x195: {  	v4 =	vperm.xlane v3, v0;
	_ =	sdelay $0x1  }
0x196: {  	v4 =	vadd.s32 v1, v4;
	_ =	sdelay $0x3  }
0x197: {  	s15 =	simm.s32 $0xC200  }
0x198: {  	[tilespmem:s15], [sflag:$0x1] =	stream.indirect_vreg.gather [hbm4b:s1+s3], $0x80, v4, vm0, $0xb8;
	[tilespmem:$0x18200] =	vst v63  }
0x199: {  	s26 =	simm.s32 $0xCA00;
	v3 =	vperm.xlane v3, v2  }
0x19a: {  	[tilespmem:s26], [sflag:$0x1] =	stream.indirect_vreg.gather [hbm4b:s5+s3], $0x80, v4, vm0, $0xb8;
	[tilespmem:$0x18200] =	vst v63  }
0x19b: {  	v3 =	vadd.s32 v1, v3;
	s15 =	simm.s32 $0xD200  }
0x19c: {  	[tilespmem:s15], [sflag:$0x1] =	stream.indirect_vreg.gather [hbm4b:s6+s3], $0x80, v4, vm0, $0xb8;
	[tilespmem:$0x18200] =	vst v63  }
0x19d: {  	s26 =	simm.s32 $0xDA00  }
0x19e: {  	[tilespmem:s26], [sflag:$0x1] =	stream.indirect_vreg.gather [hbm4b:s7+s3], $0x80, v4, vm0, $0xb8;
	[tilespmem:$0x18200] =	vst v63  }
0x19f: {  	s15 =	simm.s32 $0xE200  }
0x1a0: {  	[tilespmem:s15], [sflag:$0x1] =	stream.indirect_vreg.gather [hbm4b:s1+s3], $0x80, v3, vm0, $0xb8;
	[tilespmem:$0x18200] =	vst v63  }
0x1a1: {  	s26 =	simm.s32 $0xEA00  }
0x1a2: {  	[tilespmem:s26], [sflag:$0x1] =	stream.indirect_vreg.gather [hbm4b:s5+s3], $0x80, v3, vm0, $0xb8;
	[tilespmem:$0x18200] =	vst v63  }
0x1a3: {  	s15 =	simm.s32 $0xF200  }
0x1a4: {  	[tilespmem:s15], [sflag:$0x1] =	stream.indirect_vreg.gather [hbm4b:s6+s3], $0x80, v3, vm0, $0xb8;
	[tilespmem:$0x18200] =	vst v63  }
0x1a5: {  	s26 =	simm.s32 $0xFA00  }
0x1a6: {  	[tilespmem:s26], [sflag:$0x1] =	stream.indirect_vreg.gather [hbm4b:s7+s3], $0x80, v3, vm0, $0xb8;
	[tilespmem:$0x18200] =	vst v63  }
0x1a7: {  	s0 =	rddreg [dreg:$0xa]  }
0x1a8: {  	[hbm4b:s0+s3] =	stream.linear.scatter [tilespmem:s10], [sflag:$0x2], $0x8000, $0x38;
	[tilespmem:$0x18200] =	vst v63  }
0x1a9: {  	_ =	swait.ge [sflag:s29], $0x8000  }
0x1aa: {  	[sflag:s29] =	ssyncset.done $0x0  }
0x1ab: {  	[sflag:s29] =	ssyncadd.s32 $0xFFFF8000  }
0x1ac: {  	_ =	swait.ge [sflag:s31], $0x8000  }
0x1ad: {  	[sflag:s31] =	ssyncset.done $0x0  }
0x1ae: {  	[sflag:s31] =	ssyncadd.s32 $0xFFFF8000  }
0x1af: {  	v3 =	vld [tilespmem:$0x100];
	_ =	sdelay $0x4  }
0x1b0: {  	v48 =	vshll.u32 v3, $0x3  }
0x1b1: {  	v3 =	vand.u32 $0x7, v3;
	v4 =	vand.u32 $0xFFFFFFC0, v48  }
0x1b2: {  	v3 =	vor.u32 v3, v4  }
0x1b3: {  	v4 =	vperm.xlane v3, v0;
	_ =	sdelay $0x1  }
0x1b4: {  	v4 =	vadd.s32 v1, v4;
	_ =	sdelay $0x4  }
0x1b5: {  	[tilespmem:s10], [sflag:$0x1] =	stream.indirect_vreg.gather [hbm4b:s1+s3], $0x80, v4, vm0, $0xb8;
	[tilespmem:$0x18200] =	vst v63  }
0x1b6: {  	s15 =	simm.s32 $0x10A00;
	v3 =	vperm.xlane v3, v2  }
0x1b7: {  	[tilespmem:s15], [sflag:$0x1] =	stream.indirect_vreg.gather [hbm4b:s5+s3], $0x80, v4, vm0, $0xb8;
	[tilespmem:$0x18200] =	vst v63  }
0x1b8: {  	s19 =	simm.s32 $0x11200;
	v3 =	vadd.s32 v1, v3  }
0x1b9: {  	[tilespmem:s19], [sflag:$0x1] =	stream.indirect_vreg.gather [hbm4b:s6+s3], $0x80, v4, vm0, $0xb8;
	[tilespmem:$0x18200] =	vst v63  }
0x1ba: {  	s22 =	simm.s32 $0x11A00  }
0x1bb: {  	[tilespmem:s22], [sflag:$0x1] =	stream.indirect_vreg.gather [hbm4b:s7+s3], $0x80, v4, vm0, $0xb8;
	[tilespmem:$0x18200] =	vst v63  }
0x1bc: {  	s22 =	simm.s32 $0x12200  }
0x1bd: {  	[tilespmem:s22], [sflag:$0x1] =	stream.indirect_vreg.gather [hbm4b:s1+s3], $0x80, v3, vm0, $0xb8;
	[tilespmem:$0x18200] =	vst v63  }
0x1be: {  	s26 =	simm.s32 $0x12A00  }
0x1bf: {  	[tilespmem:s26], [sflag:$0x1] =	stream.indirect_vreg.gather [hbm4b:s5+s3], $0x80, v3, vm0, $0xb8;
	[tilespmem:$0x18200] =	vst v63  }
0x1c0: {  	s19 =	simm.s32 $0x13200  }
0x1c1: {  	[tilespmem:s19], [sflag:$0x1] =	stream.indirect_vreg.gather [hbm4b:s6+s3], $0x80, v3, vm0, $0xb8;
	[tilespmem:$0x18200] =	vst v63  }
0x1c2: {  	s22 =	simm.s32 $0x13A00  }
0x1c3: {  	[tilespmem:s22], [sflag:$0x1] =	stream.indirect_vreg.gather [hbm4b:s7+s3], $0x80, v3, vm0, $0xb8;
	[tilespmem:$0x18200] =	vst v63  }
0x1c4: {  	v3 =	vld [tilespmem:$0x110];
	_ =	sdelay $0x4  }
0x1c5: {  	v49 =	vshll.u32 v3, $0x3  }
0x1c6: {  	v3 =	vand.u32 $0x7, v3;
	v4 =	vand.u32 $0xFFFFFFC0, v49  }
0x1c7: {  	v3 =	vor.u32 v3, v4  }
0x1c8: {  	v4 =	vperm.xlane v3, v0;
	_ =	sdelay $0x1  }
0x1c9: {  	v4 =	vadd.s32 v1, v4;
	_ =	sdelay $0x3  }
0x1ca: {  	s26 =	simm.s32 $0x14200  }
0x1cb: {  	[tilespmem:s26], [sflag:$0x1] =	stream.indirect_vreg.gather [hbm4b:s1+s3], $0x80, v4, vm0, $0xb8;
	[tilespmem:$0x18200] =	vst v63  }
0x1cc: {  	s19 =	simm.s32 $0x14A00;
	v3 =	vperm.xlane v3, v2  }
0x1cd: {  	[tilespmem:s19], [sflag:$0x1] =	stream.indirect_vreg.gather [hbm4b:s5+s3], $0x80, v4, vm0, $0xb8;
	[tilespmem:$0x18200] =	vst v63  }
0x1ce: {  	s22 =	simm.s32 $0x15200;
	v3 =	vadd.s32 v1, v3  }
0x1cf: {  	[tilespmem:s22], [sflag:$0x1] =	stream.indirect_vreg.gather [hbm4b:s6+s3], $0x80, v4, vm0, $0xb8;
	[tilespmem:$0x18200] =	vst v63  }
0x1d0: {  	s26 =	simm.s32 $0x15A00  }
0x1d1: {  	[tilespmem:s26], [sflag:$0x1] =	stream.indirect_vreg.gather [hbm4b:s7+s3], $0x80, v4, vm0, $0xb8;
	[tilespmem:$0x18200] =	vst v63  }
0x1d2: {  	s19 =	simm.s32 $0x16200  }
0x1d3: {  	[tilespmem:s19], [sflag:$0x1] =	stream.indirect_vreg.gather [hbm4b:s1+s3], $0x80, v3, vm0, $0xb8;
	[tilespmem:$0x18200] =	vst v63  }
0x1d4: {  	s22 =	simm.s32 $0x16A00  }
0x1d5: {  	[tilespmem:s22], [sflag:$0x1] =	stream.indirect_vreg.gather [hbm4b:s5+s3], $0x80, v3, vm0, $0xb8;
	[tilespmem:$0x18200] =	vst v63  }
0x1d6: {  	s26 =	simm.s32 $0x17200  }
0x1d7: {  	[tilespmem:s26], [sflag:$0x1] =	stream.indirect_vreg.gather [hbm4b:s6+s3], $0x80, v3, vm0, $0xb8;
	[tilespmem:$0x18200] =	vst v63  }
0x1d8: {  	s18 =	simm.s32 $0x17A00  }
0x1d9: {  	[tilespmem:s18], [sflag:$0x1] =	stream.indirect_vreg.gather [hbm4b:s7+s3], $0x80, v3, vm0, $0xb8;
	[tilespmem:$0x18200] =	vst v63  }
0x1da: {  	s19 =	rddreg [dreg:$0xb]  }
0x1db: {  	[hbm4b:s19+s3] =	stream.linear.scatter [tilespmem:s16], [sflag:$0x2], $0x8000, $0x38;
	[tilespmem:$0x18200] =	vst v63  }
0x1dc: {  	_ =	swait.ge [sflag:s29], $0x8000  }
0x1dd: {  	[sflag:s29] =	ssyncset.done $0x0  }
0x1de: {  	[sflag:s29] =	ssyncadd.s32 $0xFFFF8000  }
0x1df: {  	_ =	swait.ge [sflag:s31], $0x8000  }
0x1e0: {  	[sflag:s31] =	ssyncset.done $0x0  }
0x1e1: {  	[sflag:s31] =	ssyncadd.s32 $0xFFFF8000  }
0x1e2: {  	v3 =	vld [tilespmem:$0x120];
	_ =	sdelay $0x4  }
0x1e3: {  	v50 =	vshll.u32 v3, $0x3  }
0x1e4: {  	v3 =	vand.u32 $0x7, v3;
	v4 =	vand.u32 $0xFFFFFFC0, v50  }
0x1e5: {  	v3 =	vor.u32 v3, v4  }
0x1e6: {  	v4 =	vperm.xlane v3, v0;
	_ =	sdelay $0x1  }
0x1e7: {  	v4 =	vadd.s32 v1, v4;
	_ =	sdelay $0x4  }
0x1e8: {  	[tilespmem:s16], [sflag:$0x1] =	stream.indirect_vreg.gather [hbm4b:s1+s3], $0x80, v4, vm0, $0xb8;
	[tilespmem:$0x18200] =	vst v63  }
0x1e9: {  	s26 =	simm.s32 $0xA00;
	v3 =	vperm.xlane v3, v2  }
0x1ea: {  	[tilespmem:s26], [sflag:$0x1] =	stream.indirect_vreg.gather [hbm4b:s5+s3], $0x80, v4, vm0, $0xb8;
	[tilespmem:$0x18200] =	vst v63  }
0x1eb: {  	s2 =	simm.s32 $0x1200;
	v3 =	vadd.s32 v1, v3  }
0x1ec: {  	[tilespmem:s2], [sflag:$0x1] =	stream.indirect_vreg.gather [hbm4b:s6+s3], $0x80, v4, vm0, $0xb8;
	[tilespmem:$0x18200] =	vst v63  }
0x1ed: {  	s4 =	simm.s32 $0x1A00  }
0x1ee: {  	[tilespmem:s4], [sflag:$0x1] =	stream.indirect_vreg.gather [hbm4b:s7+s3], $0x80, v4, vm0, $0xb8;
	[tilespmem:$0x18200] =	vst v63  }
0x1ef: {  	s17 =	simm.s32 $0x2200  }
0x1f0: {  	[tilespmem:s17], [sflag:$0x1] =	stream.indirect_vreg.gather [hbm4b:s1+s3], $0x80, v3, vm0, $0xb8;
	[tilespmem:$0x18200] =	vst v63  }
0x1f1: {  	s28 =	simm.s32 $0x2A00  }
0x1f2: {  	[tilespmem:s28], [sflag:$0x1] =	stream.indirect_vreg.gather [hbm4b:s5+s3], $0x80, v3, vm0, $0xb8;
	[tilespmem:$0x18200] =	vst v63  }
0x1f3: {  	s24 =	simm.s32 $0x3200  }
0x1f4: {  	[tilespmem:s24], [sflag:$0x1] =	stream.indirect_vreg.gather [hbm4b:s6+s3], $0x80, v3, vm0, $0xb8;
	[tilespmem:$0x18200] =	vst v63  }
0x1f5: {  	s20 =	simm.s32 $0x3A00  }
0x1f6: {  	[tilespmem:s20], [sflag:$0x1] =	stream.indirect_vreg.gather [hbm4b:s7+s3], $0x80, v3, vm0, $0xb8;
	[tilespmem:$0x18200] =	vst v63  }
0x1f7: {  	v3 =	vld [tilespmem:$0x130];
	_ =	sdelay $0x4  }
0x1f8: {  	v51 =	vshll.u32 v3, $0x3  }
0x1f9: {  	v3 =	vand.u32 $0x7, v3;
	v4 =	vand.u32 $0xFFFFFFC0, v51  }
0x1fa: {  	v3 =	vor.u32 v3, v4  }
0x1fb: {  	v4 =	vperm.xlane v3, v0;
	_ =	sdelay $0x1  }
0x1fc: {  	v4 =	vadd.s32 v1, v4;
	_ =	sdelay $0x3  }
0x1fd: {  	s21 =	simm.s32 $0x4200  }
0x1fe: {  	[tilespmem:s21], [sflag:$0x1] =	stream.indirect_vreg.gather [hbm4b:s1+s3], $0x80, v4, vm0, $0xb8;
	[tilespmem:$0x18200] =	vst v63  }
0x1ff: {  	s13 =	simm.s32 $0x4A00;
	v3 =	vperm.xlane v3, v2  }
0x200: {  	[tilespmem:s13], [sflag:$0x1] =	stream.indirect_vreg.gather [hbm4b:s5+s3], $0x80, v4, vm0, $0xb8;
	[tilespmem:$0x18200] =	vst v63  }
0x201: {  	s23 =	simm.s32 $0x5200;
	v3 =	vadd.s32 v1, v3  }
0x202: {  	[tilespmem:s23], [sflag:$0x1] =	stream.indirect_vreg.gather [hbm4b:s6+s3], $0x80, v4, vm0, $0xb8;
	[tilespmem:$0x18200] =	vst v63  }
0x203: {  	s25 =	simm.s32 $0x5A00  }
0x204: {  	[tilespmem:s25], [sflag:$0x1] =	stream.indirect_vreg.gather [hbm4b:s7+s3], $0x80, v4, vm0, $0xb8;
	[tilespmem:$0x18200] =	vst v63  }
0x205: {  	s11 =	simm.s32 $0x6200  }
0x206: {  	[tilespmem:s11], [sflag:$0x1] =	stream.indirect_vreg.gather [hbm4b:s1+s3], $0x80, v3, vm0, $0xb8;
	[tilespmem:$0x18200] =	vst v63  }
0x207: {  	s12 =	simm.s32 $0x6A00  }
0x208: {  	[tilespmem:s12], [sflag:$0x1] =	stream.indirect_vreg.gather [hbm4b:s5+s3], $0x80, v3, vm0, $0xb8;
	[tilespmem:$0x18200] =	vst v63  }
0x209: {  	s14 =	simm.s32 $0x7200  }
0x20a: {  	[tilespmem:s14], [sflag:$0x1] =	stream.indirect_vreg.gather [hbm4b:s6+s3], $0x80, v3, vm0, $0xb8;
	[tilespmem:$0x18200] =	vst v63  }
0x20b: {  	s9 =	simm.s32 $0x7A00  }
0x20c: {  	[tilespmem:s9], [sflag:$0x1] =	stream.indirect_vreg.gather [hbm4b:s7+s3], $0x80, v3, vm0, $0xb8;
	[tilespmem:$0x18200] =	vst v63  }
0x20d: {  	s11 =	rddreg [dreg:$0xc]  }
0x20e: {  	[hbm4b:s11+s3] =	stream.linear.scatter [tilespmem:s30], [sflag:$0x2], $0x8000, $0x38;
	[tilespmem:$0x18200] =	vst v63  }
0x20f: {  	_ =	swait.ge [sflag:s29], $0x8000  }
0x210: {  	[sflag:s29] =	ssyncset.done $0x0  }
0x211: {  	[sflag:s29] =	ssyncadd.s32 $0xFFFF8000  }
0x212: {  	_ =	swait.ge [sflag:s31], $0x8000  }
0x213: {  	[sflag:s31] =	ssyncset.done $0x0  }
0x214: {  	[sflag:s31] =	ssyncadd.s32 $0xFFFF8000  }
0x215: {  	v3 =	vld [tilespmem:$0x140];
	_ =	sdelay $0x4  }
0x216: {  	v52 =	vshll.u32 v3, $0x3  }
0x217: {  	v3 =	vand.u32 $0x7, v3;
	v4 =	vand.u32 $0xFFFFFFC0, v52  }
0x218: {  	v3 =	vor.u32 v3, v4  }
0x219: {  	v4 =	vperm.xlane v3, v0;
	_ =	sdelay $0x1  }
0x21a: {  	v4 =	vadd.s32 v1, v4;
	_ =	sdelay $0x4  }
0x21b: {  	[tilespmem:s30], [sflag:$0x1] =	stream.indirect_vreg.gather [hbm4b:s1+s3], $0x80, v4, vm0, $0xb8;
	[tilespmem:$0x18200] =	vst v63  }
0x21c: {  	s14 =	simm.s32 $0x8A00;
	v3 =	vperm.xlane v3, v2  }
0x21d: {  	[tilespmem:s14], [sflag:$0x1] =	stream.indirect_vreg.gather [hbm4b:s5+s3], $0x80, v4, vm0, $0xb8;
	[tilespmem:$0x18200] =	vst v63  }
0x21e: {  	s21 =	simm.s32 $0x9200;
	v3 =	vadd.s32 v1, v3  }
0x21f: {  	[tilespmem:s21], [sflag:$0x1] =	stream.indirect_vreg.gather [hbm4b:s6+s3], $0x80, v4, vm0, $0xb8;
	[tilespmem:$0x18200] =	vst v63  }
0x220: {  	s23 =	simm.s32 $0x9A00  }
0x221: {  	[tilespmem:s23], [sflag:$0x1] =	stream.indirect_vreg.gather [hbm4b:s7+s3], $0x80, v4, vm0, $0xb8;
	[tilespmem:$0x18200] =	vst v63  }
0x222: {  	s25 =	simm.s32 $0xA200  }
0x223: {  	[tilespmem:s25], [sflag:$0x1] =	stream.indirect_vreg.gather [hbm4b:s1+s3], $0x80, v3, vm0, $0xb8;
	[tilespmem:$0x18200] =	vst v63  }
0x224: {  	s9 =	simm.s32 $0xAA00  }
0x225: {  	[tilespmem:s9], [sflag:$0x1] =	stream.indirect_vreg.gather [hbm4b:s5+s3], $0x80, v3, vm0, $0xb8;
	[tilespmem:$0x18200] =	vst v63  }
0x226: {  	s11 =	simm.s32 $0xB200  }
0x227: {  	[tilespmem:s11], [sflag:$0x1] =	stream.indirect_vreg.gather [hbm4b:s6+s3], $0x80, v3, vm0, $0xb8;
	[tilespmem:$0x18200] =	vst v63  }
0x228: {  	s14 =	simm.s32 $0xBA00  }
0x229: {  	[tilespmem:s14], [sflag:$0x1] =	stream.indirect_vreg.gather [hbm4b:s7+s3], $0x80, v3, vm0, $0xb8;
	[tilespmem:$0x18200] =	vst v63  }
0x22a: {  	v3 =	vld [tilespmem:$0x150];
	_ =	sdelay $0x4  }
0x22b: {  	v53 =	vshll.u32 v3, $0x3  }
0x22c: {  	v3 =	vand.u32 $0x7, v3;
	v4 =	vand.u32 $0xFFFFFFC0, v53  }
0x22d: {  	v3 =	vor.u32 v3, v4  }
0x22e: {  	v4 =	vperm.xlane v3, v0;
	_ =	sdelay $0x1  }
0x22f: {  	v4 =	vadd.s32 v1, v4;
	_ =	sdelay $0x3  }
0x230: {  	s21 =	simm.s32 $0xC200  }
0x231: {  	[tilespmem:s21], [sflag:$0x1] =	stream.indirect_vreg.gather [hbm4b:s1+s3], $0x80, v4, vm0, $0xb8;
	[tilespmem:$0x18200] =	vst v63  }
0x232: {  	s23 =	simm.s32 $0xCA00;
	v3 =	vperm.xlane v3, v2  }
0x233: {  	[tilespmem:s23], [sflag:$0x1] =	stream.indirect_vreg.gather [hbm4b:s5+s3], $0x80, v4, vm0, $0xb8;
	[tilespmem:$0x18200] =	vst v63  }
0x234: {  	s25 =	simm.s32 $0xD200;
	v3 =	vadd.s32 v1, v3  }
0x235: {  	[tilespmem:s25], [sflag:$0x1] =	stream.indirect_vreg.gather [hbm4b:s6+s3], $0x80, v4, vm0, $0xb8;
	[tilespmem:$0x18200] =	vst v63  }
0x236: {  	s9 =	simm.s32 $0xDA00  }
0x237: {  	[tilespmem:s9], [sflag:$0x1] =	stream.indirect_vreg.gather [hbm4b:s7+s3], $0x80, v4, vm0, $0xb8;
	[tilespmem:$0x18200] =	vst v63  }
0x238: {  	s11 =	simm.s32 $0xE200  }
0x239: {  	[tilespmem:s11], [sflag:$0x1] =	stream.indirect_vreg.gather [hbm4b:s1+s3], $0x80, v3, vm0, $0xb8;
	[tilespmem:$0x18200] =	vst v63  }
0x23a: {  	s14 =	simm.s32 $0xEA00  }
0x23b: {  	[tilespmem:s14], [sflag:$0x1] =	stream.indirect_vreg.gather [hbm4b:s5+s3], $0x80, v3, vm0, $0xb8;
	[tilespmem:$0x18200] =	vst v63  }
0x23c: {  	s21 =	simm.s32 $0xF200  }
0x23d: {  	[tilespmem:s21], [sflag:$0x1] =	stream.indirect_vreg.gather [hbm4b:s6+s3], $0x80, v3, vm0, $0xb8;
	[tilespmem:$0x18200] =	vst v63  }
0x23e: {  	s25 =	simm.s32 $0xFA00  }
0x23f: {  	[tilespmem:s25], [sflag:$0x1] =	stream.indirect_vreg.gather [hbm4b:s7+s3], $0x80, v3, vm0, $0xb8;
	[tilespmem:$0x18200] =	vst v63  }
0x240: {  	s23 =	rddreg [dreg:$0xd]  }
0x241: {  	[hbm4b:s23+s3] =	stream.linear.scatter [tilespmem:s10], [sflag:$0x2], $0x8000, $0x38;
	[tilespmem:$0x18200] =	vst v63  }
0x242: {  	_ =	swait.ge [sflag:s29], $0x8000  }
0x243: {  	[sflag:s29] =	ssyncset.done $0x0  }
0x244: {  	[sflag:s29] =	ssyncadd.s32 $0xFFFF8000  }
0x245: {  	_ =	swait.ge [sflag:s31], $0x8000  }
0x246: {  	[sflag:s31] =	ssyncset.done $0x0  }
0x247: {  	[sflag:s31] =	ssyncadd.s32 $0xFFFF8000  }
0x248: {  	v3 =	vld [tilespmem:$0x160];
	_ =	sdelay $0x4  }
0x249: {  	v54 =	vshll.u32 v3, $0x3  }
0x24a: {  	v3 =	vand.u32 $0x7, v3;
	v4 =	vand.u32 $0xFFFFFFC0, v54  }
0x24b: {  	v3 =	vor.u32 v3, v4  }
0x24c: {  	v4 =	vperm.xlane v3, v0;
	_ =	sdelay $0x1  }
0x24d: {  	v4 =	vadd.s32 v1, v4;
	_ =	sdelay $0x4  }
0x24e: {  	[tilespmem:s10], [sflag:$0x1] =	stream.indirect_vreg.gather [hbm4b:s1+s3], $0x80, v4, vm0, $0xb8;
	[tilespmem:$0x18200] =	vst v63  }
0x24f: {  	s9 =	simm.s32 $0x10A00;
	v3 =	vperm.xlane v3, v2  }
0x250: {  	[tilespmem:s9], [sflag:$0x1] =	stream.indirect_vreg.gather [hbm4b:s5+s3], $0x80, v4, vm0, $0xb8;
	[tilespmem:$0x18200] =	vst v63  }
0x251: {  	s15 =	simm.s32 $0x11200;
	v3 =	vadd.s32 v1, v3  }
0x252: {  	[tilespmem:s15], [sflag:$0x1] =	stream.indirect_vreg.gather [hbm4b:s6+s3], $0x80, v4, vm0, $0xb8;
	[tilespmem:$0x18200] =	vst v63  }
0x253: {  	s11 =	simm.s32 $0x11A00  }
0x254: {  	[tilespmem:s11], [sflag:$0x1] =	stream.indirect_vreg.gather [hbm4b:s7+s3], $0x80, v4, vm0, $0xb8;
	[tilespmem:$0x18200] =	vst v63  }
0x255: {  	s14 =	simm.s32 $0x12200  }
0x256: {  	[tilespmem:s14], [sflag:$0x1] =	stream.indirect_vreg.gather [hbm4b:s1+s3], $0x80, v3, vm0, $0xb8;
	[tilespmem:$0x18200] =	vst v63  }
0x257: {  	s15 =	simm.s32 $0x12A00  }
0x258: {  	[tilespmem:s15], [sflag:$0x1] =	stream.indirect_vreg.gather [hbm4b:s5+s3], $0x80, v3, vm0, $0xb8;
	[tilespmem:$0x18200] =	vst v63  }
0x259: {  	s21 =	simm.s32 $0x13200  }
0x25a: {  	[tilespmem:s21], [sflag:$0x1] =	stream.indirect_vreg.gather [hbm4b:s6+s3], $0x80, v3, vm0, $0xb8;
	[tilespmem:$0x18200] =	vst v63  }
0x25b: {  	s25 =	simm.s32 $0x13A00  }
0x25c: {  	[tilespmem:s25], [sflag:$0x1] =	stream.indirect_vreg.gather [hbm4b:s7+s3], $0x80, v3, vm0, $0xb8;
	[tilespmem:$0x18200] =	vst v63  }
0x25d: {  	v3 =	vld [tilespmem:$0x170];
	_ =	sdelay $0x4  }
0x25e: {  	v55 =	vshll.u32 v3, $0x3  }
0x25f: {  	v3 =	vand.u32 $0x7, v3;
	v4 =	vand.u32 $0xFFFFFFC0, v55  }
0x260: {  	v3 =	vor.u32 v3, v4  }
0x261: {  	v4 =	vperm.xlane v3, v0;
	_ =	sdelay $0x1  }
0x262: {  	v4 =	vadd.s32 v1, v4;
	_ =	sdelay $0x3  }
0x263: {  	s11 =	simm.s32 $0x14200  }
0x264: {  	[tilespmem:s11], [sflag:$0x1] =	stream.indirect_vreg.gather [hbm4b:s1+s3], $0x80, v4, vm0, $0xb8;
	[tilespmem:$0x18200] =	vst v63  }
0x265: {  	s14 =	simm.s32 $0x14A00;
	v3 =	vperm.xlane v3, v2  }
0x266: {  	[tilespmem:s14], [sflag:$0x1] =	stream.indirect_vreg.gather [hbm4b:s5+s3], $0x80, v4, vm0, $0xb8;
	[tilespmem:$0x18200] =	vst v63  }
0x267: {  	s15 =	simm.s32 $0x15200;
	v3 =	vadd.s32 v1, v3  }
0x268: {  	[tilespmem:s15], [sflag:$0x1] =	stream.indirect_vreg.gather [hbm4b:s6+s3], $0x80, v4, vm0, $0xb8;
	[tilespmem:$0x18200] =	vst v63  }
0x269: {  	s21 =	simm.s32 $0x15A00  }
0x26a: {  	[tilespmem:s21], [sflag:$0x1] =	stream.indirect_vreg.gather [hbm4b:s7+s3], $0x80, v4, vm0, $0xb8;
	[tilespmem:$0x18200] =	vst v63  }
0x26b: {  	s25 =	simm.s32 $0x16200  }
0x26c: {  	[tilespmem:s25], [sflag:$0x1] =	stream.indirect_vreg.gather [hbm4b:s1+s3], $0x80, v3, vm0, $0xb8;
	[tilespmem:$0x18200] =	vst v63  }
0x26d: {  	s11 =	simm.s32 $0x16A00  }
0x26e: {  	[tilespmem:s11], [sflag:$0x1] =	stream.indirect_vreg.gather [hbm4b:s5+s3], $0x80, v3, vm0, $0xb8;
	[tilespmem:$0x18200] =	vst v63  }
0x26f: {  	s14 =	simm.s32 $0x17200  }
0x270: {  	[tilespmem:s14], [sflag:$0x1] =	stream.indirect_vreg.gather [hbm4b:s6+s3], $0x80, v3, vm0, $0xb8;
	[tilespmem:$0x18200] =	vst v63  }
0x271: {  	s22 =	simm.s32 $0x17A00  }
0x272: {  	[tilespmem:s22], [sflag:$0x1] =	stream.indirect_vreg.gather [hbm4b:s7+s3], $0x80, v3, vm0, $0xb8;
	[tilespmem:$0x18200] =	vst v63  }
0x273: {  	s15 =	rddreg [dreg:$0xe]  }
0x274: {  	[hbm4b:s15+s3] =	stream.linear.scatter [tilespmem:s16], [sflag:$0x2], $0x8000, $0x38;
	[tilespmem:$0x18200] =	vst v63  }
0x275: {  	_ =	swait.ge [sflag:s29], $0x8000  }
0x276: {  	[sflag:s29] =	ssyncset.done $0x0  }
0x277: {  	[sflag:s29] =	ssyncadd.s32 $0xFFFF8000  }
0x278: {  	_ =	swait.ge [sflag:s31], $0x8000  }
0x279: {  	[sflag:s31] =	ssyncset.done $0x0  }
0x27a: {  	[sflag:s31] =	ssyncadd.s32 $0xFFFF8000  }
0x27b: {  	v3 =	vld [tilespmem:$0x180];
	_ =	sdelay $0x4  }
0x27c: {  	v56 =	vshll.u32 v3, $0x3  }
0x27d: {  	v3 =	vand.u32 $0x7, v3;
	v4 =	vand.u32 $0xFFFFFFC0, v56  }
0x27e: {  	v3 =	vor.u32 v3, v4  }
0x27f: {  	v4 =	vperm.xlane v3, v0;
	_ =	sdelay $0x1  }
0x280: {  	v4 =	vadd.s32 v1, v4;
	_ =	sdelay $0x4  }
0x281: {  	[tilespmem:s16], [sflag:$0x1] =	stream.indirect_vreg.gather [hbm4b:s1+s3], $0x80, v4, vm0, $0xb8;
	[tilespmem:$0x18200] =	vst v63  }
0x282: {  	s18 =	simm.s32 $0xA00;
	v3 =	vperm.xlane v3, v2  }
0x283: {  	[tilespmem:s18], [sflag:$0x1] =	stream.indirect_vreg.gather [hbm4b:s5+s3], $0x80, v4, vm0, $0xb8;
	[tilespmem:$0x18200] =	vst v63  }
0x284: {  	s19 =	simm.s32 $0x1200;
	v3 =	vadd.s32 v1, v3  }
0x285: {  	[tilespmem:s19], [sflag:$0x1] =	stream.indirect_vreg.gather [hbm4b:s6+s3], $0x80, v4, vm0, $0xb8;
	[tilespmem:$0x18200] =	vst v63  }
0x286: {  	s4 =	simm.s32 $0x1A00  }
0x287: {  	[tilespmem:s4], [sflag:$0x1] =	stream.indirect_vreg.gather [hbm4b:s7+s3], $0x80, v4, vm0, $0xb8;
	[tilespmem:$0x18200] =	vst v63  }
0x288: {  	s17 =	simm.s32 $0x2200  }
0x289: {  	[tilespmem:s17], [sflag:$0x1] =	stream.indirect_vreg.gather [hbm4b:s1+s3], $0x80, v3, vm0, $0xb8;
	[tilespmem:$0x18200] =	vst v63  }
0x28a: {  	s25 =	simm.s32 $0x2A00  }
0x28b: {  	[tilespmem:s25], [sflag:$0x1] =	stream.indirect_vreg.gather [hbm4b:s5+s3], $0x80, v3, vm0, $0xb8;
	[tilespmem:$0x18200] =	vst v63  }
0x28c: {  	s28 =	simm.s32 $0x3200  }
0x28d: {  	[tilespmem:s28], [sflag:$0x1] =	stream.indirect_vreg.gather [hbm4b:s6+s3], $0x80, v3, vm0, $0xb8;
	[tilespmem:$0x18200] =	vst v63  }
0x28e: {  	s24 =	simm.s32 $0x3A00  }
0x28f: {  	[tilespmem:s24], [sflag:$0x1] =	stream.indirect_vreg.gather [hbm4b:s7+s3], $0x80, v3, vm0, $0xb8;
	[tilespmem:$0x18200] =	vst v63  }
0x290: {  	v3 =	vld [tilespmem:$0x190];
	_ =	sdelay $0x4  }
0x291: {  	v57 =	vshll.u32 v3, $0x3  }
0x292: {  	v3 =	vand.u32 $0x7, v3;
	v4 =	vand.u32 $0xFFFFFFC0, v57  }
0x293: {  	v3 =	vor.u32 v3, v4  }
0x294: {  	v4 =	vperm.xlane v3, v0;
	_ =	sdelay $0x1  }
0x295: {  	v4 =	vadd.s32 v1, v4;
	_ =	sdelay $0x3  }
0x296: {  	s26 =	simm.s32 $0x4200  }
0x297: {  	[tilespmem:s26], [sflag:$0x1] =	stream.indirect_vreg.gather [hbm4b:s1+s3], $0x80, v4, vm0, $0xb8;
	[tilespmem:$0x18200] =	vst v63  }
0x298: {  	s2 =	simm.s32 $0x4A00;
	v3 =	vperm.xlane v3, v2  }
0x299: {  	[tilespmem:s2], [sflag:$0x1] =	stream.indirect_vreg.gather [hbm4b:s5+s3], $0x80, v4, vm0, $0xb8;
	[tilespmem:$0x18200] =	vst v63  }
0x29a: {  	v3 =	vadd.s32 v1, v3;
	s26 =	simm.s32 $0x5200  }
0x29b: {  	[tilespmem:s26], [sflag:$0x1] =	stream.indirect_vreg.gather [hbm4b:s6+s3], $0x80, v4, vm0, $0xb8;
	[tilespmem:$0x18200] =	vst v63  }
0x29c: {  	s28 =	simm.s32 $0x5A00  }
0x29d: {  	[tilespmem:s28], [sflag:$0x1] =	stream.indirect_vreg.gather [hbm4b:s7+s3], $0x80, v4, vm0, $0xb8;
	[tilespmem:$0x18200] =	vst v63  }
0x29e: {  	s2 =	simm.s32 $0x6200  }
0x29f: {  	[tilespmem:s2], [sflag:$0x1] =	stream.indirect_vreg.gather [hbm4b:s1+s3], $0x80, v3, vm0, $0xb8;
	[tilespmem:$0x18200] =	vst v63  }
0x2a0: {  	s12 =	simm.s32 $0x6A00  }
0x2a1: {  	[tilespmem:s12], [sflag:$0x1] =	stream.indirect_vreg.gather [hbm4b:s5+s3], $0x80, v3, vm0, $0xb8;
	[tilespmem:$0x18200] =	vst v63  }
0x2a2: {  	s13 =	simm.s32 $0x7200  }
0x2a3: {  	[tilespmem:s13], [sflag:$0x1] =	stream.indirect_vreg.gather [hbm4b:s6+s3], $0x80, v3, vm0, $0xb8;
	[tilespmem:$0x18200] =	vst v63  }
0x2a4: {  	s20 =	simm.s32 $0x7A00  }
0x2a5: {  	[tilespmem:s20], [sflag:$0x1] =	stream.indirect_vreg.gather [hbm4b:s7+s3], $0x80, v3, vm0, $0xb8;
	[tilespmem:$0x18200] =	vst v63  }
0x2a6: {  	s0 =	rddreg [dreg:$0xf]  }
0x2a7: {  	[hbm4b:s0+s3] =	stream.linear.scatter [tilespmem:s30], [sflag:$0x2], $0x8000, $0x38;
	[tilespmem:$0x18200] =	vst v63  }
0x2a8: {  	_ =	swait.ge [sflag:s29], $0x8000  }
0x2a9: {  	[sflag:s29] =	ssyncset.done $0x0  }
0x2aa: {  	[sflag:s29] =	ssyncadd.s32 $0xFFFF8000  }
0x2ab: {  	_ =	swait.ge [sflag:s31], $0x8000  }
0x2ac: {  	[sflag:s31] =	ssyncset.done $0x0  }
0x2ad: {  	[sflag:s31] =	ssyncadd.s32 $0xFFFF8000  }
0x2ae: {  	v3 =	vld [tilespmem:$0x1A0];
	_ =	sdelay $0x4  }
0x2af: {  	v58 =	vshll.u32 v3, $0x3  }
0x2b0: {  	v3 =	vand.u32 $0x7, v3;
	v4 =	vand.u32 $0xFFFFFFC0, v58  }
0x2b1: {  	v3 =	vor.u32 v3, v4  }
0x2b2: {  	v4 =	vperm.xlane v3, v0;
	_ =	sdelay $0x1  }
0x2b3: {  	v4 =	vadd.s32 v1, v4;
	_ =	sdelay $0x4  }
0x2b4: {  	[tilespmem:s30], [sflag:$0x1] =	stream.indirect_vreg.gather [hbm4b:s1+s3], $0x80, v4, vm0, $0xb8;
	[tilespmem:$0x18200] =	vst v63  }
0x2b5: {  	s20 =	simm.s32 $0x8A00;
	v3 =	vperm.xlane v3, v2  }
0x2b6: {  	[tilespmem:s20], [sflag:$0x1] =	stream.indirect_vreg.gather [hbm4b:s5+s3], $0x80, v4, vm0, $0xb8;
	[tilespmem:$0x18200] =	vst v63  }
0x2b7: {  	v3 =	vadd.s32 v1, v3;
	s20 =	simm.s32 $0x9200  }
0x2b8: {  	[tilespmem:s20], [sflag:$0x1] =	stream.indirect_vreg.gather [hbm4b:s6+s3], $0x80, v4, vm0, $0xb8;
	[tilespmem:$0x18200] =	vst v63  }
0x2b9: {  	s20 =	simm.s32 $0x9A00  }
0x2ba: {  	[tilespmem:s20], [sflag:$0x1] =	stream.indirect_vreg.gather [hbm4b:s7+s3], $0x80, v4, vm0, $0xb8;
	[tilespmem:$0x18200] =	vst v63  }
0x2bb: {  	s20 =	simm.s32 $0xA200  }
0x2bc: {  	[tilespmem:s20], [sflag:$0x1] =	stream.indirect_vreg.gather [hbm4b:s1+s3], $0x80, v3, vm0, $0xb8;
	[tilespmem:$0x18200] =	vst v63  }
0x2bd: {  	s20 =	simm.s32 $0xAA00  }
0x2be: {  	[tilespmem:s20], [sflag:$0x1] =	stream.indirect_vreg.gather [hbm4b:s5+s3], $0x80, v3, vm0, $0xb8;
	[tilespmem:$0x18200] =	vst v63  }
0x2bf: {  	s20 =	simm.s32 $0xB200  }
0x2c0: {  	[tilespmem:s20], [sflag:$0x1] =	stream.indirect_vreg.gather [hbm4b:s6+s3], $0x80, v3, vm0, $0xb8;
	[tilespmem:$0x18200] =	vst v63  }
0x2c1: {  	s20 =	simm.s32 $0xBA00  }
0x2c2: {  	[tilespmem:s20], [sflag:$0x1] =	stream.indirect_vreg.gather [hbm4b:s7+s3], $0x80, v3, vm0, $0xb8;
	[tilespmem:$0x18200] =	vst v63  }
0x2c3: {  	v3 =	vld [tilespmem:$0x1B0];
	_ =	sdelay $0x4  }
0x2c4: {  	v59 =	vshll.u32 v3, $0x3  }
0x2c5: {  	v3 =	vand.u32 $0x7, v3;
	v4 =	vand.u32 $0xFFFFFFC0, v59  }
0x2c6: {  	v3 =	vor.u32 v3, v4  }
0x2c7: {  	v4 =	vperm.xlane v3, v0;
	_ =	sdelay $0x1  }
0x2c8: {  	v4 =	vadd.s32 v1, v4;
	_ =	sdelay $0x3  }
0x2c9: {  	s20 =	simm.s32 $0xC200  }
0x2ca: {  	[tilespmem:s20], [sflag:$0x1] =	stream.indirect_vreg.gather [hbm4b:s1+s3], $0x80, v4, vm0, $0xb8;
	[tilespmem:$0x18200] =	vst v63  }
0x2cb: {  	v3 =	vperm.xlane v3, v2;
	s20 =	simm.s32 $0xCA00  }
0x2cc: {  	[tilespmem:s20], [sflag:$0x1] =	stream.indirect_vreg.gather [hbm4b:s5+s3], $0x80, v4, vm0, $0xb8;
	[tilespmem:$0x18200] =	vst v63  }
0x2cd: {  	v3 =	vadd.s32 v1, v3;
	s20 =	simm.s32 $0xD200  }
0x2ce: {  	[tilespmem:s20], [sflag:$0x1] =	stream.indirect_vreg.gather [hbm4b:s6+s3], $0x80, v4, vm0, $0xb8;
	[tilespmem:$0x18200] =	vst v63  }
0x2cf: {  	s20 =	simm.s32 $0xDA00  }
0x2d0: {  	[tilespmem:s20], [sflag:$0x1] =	stream.indirect_vreg.gather [hbm4b:s7+s3], $0x80, v4, vm0, $0xb8;
	[tilespmem:$0x18200] =	vst v63  }
0x2d1: {  	s20 =	simm.s32 $0xE200  }
0x2d2: {  	[tilespmem:s20], [sflag:$0x1] =	stream.indirect_vreg.gather [hbm4b:s1+s3], $0x80, v3, vm0, $0xb8;
	[tilespmem:$0x18200] =	vst v63  }
0x2d3: {  	s20 =	simm.s32 $0xEA00  }
0x2d4: {  	[tilespmem:s20], [sflag:$0x1] =	stream.indirect_vreg.gather [hbm4b:s5+s3], $0x80, v3, vm0, $0xb8;
	[tilespmem:$0x18200] =	vst v63  }
0x2d5: {  	s20 =	simm.s32 $0xF200  }
0x2d6: {  	[tilespmem:s20], [sflag:$0x1] =	stream.indirect_vreg.gather [hbm4b:s6+s3], $0x80, v3, vm0, $0xb8;
	[tilespmem:$0x18200] =	vst v63  }
0x2d7: {  	s20 =	simm.s32 $0xFA00  }
0x2d8: {  	[tilespmem:s20], [sflag:$0x1] =	stream.indirect_vreg.gather [hbm4b:s7+s3], $0x80, v3, vm0, $0xb8;
	[tilespmem:$0x18200] =	vst v63  }
0x2d9: {  	s0 =	rddreg [dreg:$0x10]  }
0x2da: {  	[hbm4b:s0+s3] =	stream.linear.scatter [tilespmem:s10], [sflag:$0x2], $0x8000, $0x38;
	[tilespmem:$0x18200] =	vst v63  }
0x2db: {  	_ =	swait.ge [sflag:s29], $0x8000  }
0x2dc: {  	[sflag:s29] =	ssyncset.done $0x0  }
0x2dd: {  	[sflag:s29] =	ssyncadd.s32 $0xFFFF8000  }
0x2de: {  	_ =	swait.ge [sflag:s31], $0x8000  }
0x2df: {  	[sflag:s31] =	ssyncset.done $0x0  }
0x2e0: {  	[sflag:s31] =	ssyncadd.s32 $0xFFFF8000  }
0x2e1: {  	v3 =	vld [tilespmem:$0x1C0];
	_ =	sdelay $0x4  }
0x2e2: {  	v60 =	vshll.u32 v3, $0x3  }
0x2e3: {  	v3 =	vand.u32 $0x7, v3;
	v4 =	vand.u32 $0xFFFFFFC0, v60  }
0x2e4: {  	v3 =	vor.u32 v3, v4  }
0x2e5: {  	v4 =	vperm.xlane v3, v0;
	_ =	sdelay $0x1  }
0x2e6: {  	v4 =	vadd.s32 v1, v4;
	_ =	sdelay $0x4  }
0x2e7: {  	[tilespmem:s10], [sflag:$0x1] =	stream.indirect_vreg.gather [hbm4b:s1+s3], $0x80, v4, vm0, $0xb8;
	[tilespmem:$0x18200] =	vst v63  }
0x2e8: {  	s20 =	simm.s32 $0x10A00;
	v3 =	vperm.xlane v3, v2  }
0x2e9: {  	[tilespmem:s20], [sflag:$0x1] =	stream.indirect_vreg.gather [hbm4b:s5+s3], $0x80, v4, vm0, $0xb8;
	[tilespmem:$0x18200] =	vst v63  }
0x2ea: {  	s9 =	simm.s32 $0x11200;
	v3 =	vadd.s32 v1, v3  }
0x2eb: {  	[tilespmem:s9], [sflag:$0x1] =	stream.indirect_vreg.gather [hbm4b:s6+s3], $0x80, v4, vm0, $0xb8;
	[tilespmem:$0x18200] =	vst v63  }
0x2ec: {  	s23 =	simm.s32 $0x11A00  }
0x2ed: {  	[tilespmem:s23], [sflag:$0x1] =	stream.indirect_vreg.gather [hbm4b:s7+s3], $0x80, v4, vm0, $0xb8;
	[tilespmem:$0x18200] =	vst v63  }
0x2ee: {  	s9 =	simm.s32 $0x12200  }
0x2ef: {  	[tilespmem:s9], [sflag:$0x1] =	stream.indirect_vreg.gather [hbm4b:s1+s3], $0x80, v3, vm0, $0xb8;
	[tilespmem:$0x18200] =	vst v63  }
0x2f0: {  	s20 =	simm.s32 $0x12A00  }
0x2f1: {  	[tilespmem:s20], [sflag:$0x1] =	stream.indirect_vreg.gather [hbm4b:s5+s3], $0x80, v3, vm0, $0xb8;
	[tilespmem:$0x18200] =	vst v63  }
0x2f2: {  	s23 =	simm.s32 $0x13200  }
0x2f3: {  	[tilespmem:s23], [sflag:$0x1] =	stream.indirect_vreg.gather [hbm4b:s6+s3], $0x80, v3, vm0, $0xb8;
	[tilespmem:$0x18200] =	vst v63  }
0x2f4: {  	s9 =	simm.s32 $0x13A00  }
0x2f5: {  	[tilespmem:s9], [sflag:$0x1] =	stream.indirect_vreg.gather [hbm4b:s7+s3], $0x80, v3, vm0, $0xb8;
	[tilespmem:$0x18200] =	vst v63  }
0x2f6: {  	v3 =	vld [tilespmem:$0x1D0];
	_ =	sdelay $0x4  }
0x2f7: {  	v61 =	vshll.u32 v3, $0x3  }
0x2f8: {  	v3 =	vand.u32 $0x7, v3;
	v4 =	vand.u32 $0xFFFFFFC0, v61  }
0x2f9: {  	v3 =	vor.u32 v3, v4  }
0x2fa: {  	v4 =	vperm.xlane v3, v0;
	_ =	sdelay $0x1  }
0x2fb: {  	v4 =	vadd.s32 v1, v4;
	_ =	sdelay $0x3  }
0x2fc: {  	s20 =	simm.s32 $0x14200  }
0x2fd: {  	[tilespmem:s20], [sflag:$0x1] =	stream.indirect_vreg.gather [hbm4b:s1+s3], $0x80, v4, vm0, $0xb8;
	[tilespmem:$0x18200] =	vst v63  }
0x2fe: {  	s23 =	simm.s32 $0x14A00;
	v3 =	vperm.xlane v3, v2  }
0x2ff: {  	[tilespmem:s23], [sflag:$0x1] =	stream.indirect_vreg.gather [hbm4b:s5+s3], $0x80, v4, vm0, $0xb8;
	[tilespmem:$0x18200] =	vst v63  }
0x300: {  	s9 =	simm.s32 $0x15200;
	v3 =	vadd.s32 v1, v3  }
0x301: {  	[tilespmem:s9], [sflag:$0x1] =	stream.indirect_vreg.gather [hbm4b:s6+s3], $0x80, v4, vm0, $0xb8;
	[tilespmem:$0x18200] =	vst v63  }
0x302: {  	s20 =	simm.s32 $0x15A00  }
0x303: {  	[tilespmem:s20], [sflag:$0x1] =	stream.indirect_vreg.gather [hbm4b:s7+s3], $0x80, v4, vm0, $0xb8;
	[tilespmem:$0x18200] =	vst v63  }
0x304: {  	s23 =	simm.s32 $0x16200  }
0x305: {  	[tilespmem:s23], [sflag:$0x1] =	stream.indirect_vreg.gather [hbm4b:s1+s3], $0x80, v3, vm0, $0xb8;
	[tilespmem:$0x18200] =	vst v63  }
0x306: {  	s9 =	simm.s32 $0x16A00  }
0x307: {  	[tilespmem:s9], [sflag:$0x1] =	stream.indirect_vreg.gather [hbm4b:s5+s3], $0x80, v3, vm0, $0xb8;
	[tilespmem:$0x18200] =	vst v63  }
0x308: {  	s20 =	simm.s32 $0x17200  }
0x309: {  	[tilespmem:s20], [sflag:$0x1] =	stream.indirect_vreg.gather [hbm4b:s6+s3], $0x80, v3, vm0, $0xb8;
	[tilespmem:$0x18200] =	vst v63  }
0x30a: {  	s21 =	simm.s32 $0x17A00  }
0x30b: {  	[tilespmem:s21], [sflag:$0x1] =	stream.indirect_vreg.gather [hbm4b:s7+s3], $0x80, v3, vm0, $0xb8;
	[tilespmem:$0x18200] =	vst v63  }
0x30c: {  	s23 =	rddreg [dreg:$0x11]  }
0x30d: {  	[hbm4b:s23+s3] =	stream.linear.scatter [tilespmem:s16], [sflag:$0x2], $0x8000, $0x38;
	[tilespmem:$0x18200] =	vst v63  }
0x30e: {  	_ =	swait.ge [sflag:s29], $0x8000  }
0x30f: {  	[sflag:s29] =	ssyncset.done $0x0  }
0x310: {  	[sflag:s29] =	ssyncadd.s32 $0xFFFF8000  }
0x311: {  	_ =	swait.ge [sflag:s31], $0x8000  }
0x312: {  	[sflag:s31] =	ssyncset.done $0x0  }
0x313: {  	[sflag:s31] =	ssyncadd.s32 $0xFFFF8000  }
0x314: {  	v3 =	vld [tilespmem:$0x1E0];
	_ =	sdelay $0x4  }
0x315: {  	v62 =	vshll.u32 v3, $0x3  }
0x316: {  	v3 =	vand.u32 $0x7, v3;
	v4 =	vand.u32 $0xFFFFFFC0, v62  }
0x317: {  	v3 =	vor.u32 v3, v4  }
0x318: {  	v4 =	vperm.xlane v3, v0;
	_ =	sdelay $0x1  }
0x319: {  	v4 =	vadd.s32 v1, v4;
	_ =	sdelay $0x4  }
0x31a: {  	[tilespmem:s16], [sflag:$0x1] =	stream.indirect_vreg.gather [hbm4b:s1+s3], $0x80, v4, vm0, $0xb8;
	[tilespmem:$0x18200] =	vst v63  }
0x31b: {  	s11 =	simm.s32 $0xA00;
	v3 =	vperm.xlane v3, v2  }
0x31c: {  	[tilespmem:s11], [sflag:$0x1] =	stream.indirect_vreg.gather [hbm4b:s5+s3], $0x80, v4, vm0, $0xb8;
	[tilespmem:$0x18200] =	vst v63  }
0x31d: {  	s18 =	simm.s32 $0x1200;
	v3 =	vadd.s32 v1, v3  }
0x31e: {  	[tilespmem:s18], [sflag:$0x1] =	stream.indirect_vreg.gather [hbm4b:s6+s3], $0x80, v4, vm0, $0xb8;
	[tilespmem:$0x18200] =	vst v63  }
0x31f: {  	s15 =	simm.s32 $0x1A00  }
0x320: {  	[tilespmem:s15], [sflag:$0x1] =	stream.indirect_vreg.gather [hbm4b:s7+s3], $0x80, v4, vm0, $0xb8;
	[tilespmem:$0x18200] =	vst v63  }
0x321: {  	s4 =	simm.s32 $0x2200  }
0x322: {  	[tilespmem:s4], [sflag:$0x1] =	stream.indirect_vreg.gather [hbm4b:s1+s3], $0x80, v3, vm0, $0xb8;
	[tilespmem:$0x18200] =	vst v63  }
0x323: {  	s25 =	simm.s32 $0x2A00  }
0x324: {  	[tilespmem:s25], [sflag:$0x1] =	stream.indirect_vreg.gather [hbm4b:s5+s3], $0x80, v3, vm0, $0xb8;
	[tilespmem:$0x18200] =	vst v63  }
0x325: {  	s22 =	simm.s32 $0x3200  }
0x326: {  	[tilespmem:s22], [sflag:$0x1] =	stream.indirect_vreg.gather [hbm4b:s6+s3], $0x80, v3, vm0, $0xb8;
	[tilespmem:$0x18200] =	vst v63  }
0x327: {  	s17 =	simm.s32 $0x3A00  }
0x328: {  	[tilespmem:s17], [sflag:$0x1] =	stream.indirect_vreg.gather [hbm4b:s7+s3], $0x80, v3, vm0, $0xb8;
	[tilespmem:$0x18200] =	vst v63  }
0x329: {  	v3 =	vld [tilespmem:$0x1F0];
	_ =	sdelay $0x4  }
0x32a: {  	v63 =	vshll.u32 v3, $0x3  }
0x32b: {  	v3 =	vand.u32 $0x7, v3;
	v4 =	vand.u32 $0xFFFFFFC0, v63  }
0x32c: {  	v3 =	vor.u32 v3, v4  }
0x32d: {  	v4 =	vperm.xlane v3, v0;
	_ =	sdelay $0x1  }
0x32e: {  	v4 =	vadd.s32 v1, v4;
	_ =	sdelay $0x3  }
0x32f: {  	s19 =	simm.s32 $0x4200  }
0x330: {  	[tilespmem:s19], [sflag:$0x1] =	stream.indirect_vreg.gather [hbm4b:s1+s3], $0x80, v4, vm0, $0xb8;
	[tilespmem:$0x18200] =	vst v63  }
0x331: {  	s14 =	simm.s32 $0x4A00;
	v3 =	vperm.xlane v3, v2  }
0x332: {  	[tilespmem:s14], [sflag:$0x1] =	stream.indirect_vreg.gather [hbm4b:s5+s3], $0x80, v4, vm0, $0xb8;
	[tilespmem:$0x18200] =	vst v63  }
0x333: {  	s24 =	simm.s32 $0x5200;
	v3 =	vadd.s32 v1, v3  }
0x334: {  	[tilespmem:s24], [sflag:$0x1] =	stream.indirect_vreg.gather [hbm4b:s6+s3], $0x80, v4, vm0, $0xb8;
	[tilespmem:$0x18200] =	vst v63  }
0x335: {  	s28 =	simm.s32 $0x5A00  }
0x336: {  	[tilespmem:s28], [sflag:$0x1] =	stream.indirect_vreg.gather [hbm4b:s7+s3], $0x80, v4, vm0, $0xb8;
	[tilespmem:$0x18200] =	vst v63  }
0x337: {  	s26 =	simm.s32 $0x6200  }
0x338: {  	[tilespmem:s26], [sflag:$0x1] =	stream.indirect_vreg.gather [hbm4b:s1+s3], $0x80, v3, vm0, $0xb8;
	[tilespmem:$0x18200] =	vst v63  }
0x339: {  	s2 =	simm.s32 $0x6A00  }
0x33a: {  	[tilespmem:s2], [sflag:$0x1] =	stream.indirect_vreg.gather [hbm4b:s5+s3], $0x80, v3, vm0, $0xb8;
	[tilespmem:$0x18200] =	vst v63  }
0x33b: {  	s12 =	simm.s32 $0x7200  }
0x33c: {  	[tilespmem:s12], [sflag:$0x1] =	stream.indirect_vreg.gather [hbm4b:s6+s3], $0x80, v3, vm0, $0xb8;
	[tilespmem:$0x18200] =	vst v63  }
0x33d: {  	s13 =	simm.s32 $0x7A00  }
0x33e: {  	[tilespmem:s13], [sflag:$0x1] =	stream.indirect_vreg.gather [hbm4b:s7+s3], $0x80, v3, vm0, $0xb8;
	[tilespmem:$0x18200] =	vst v63  }
0x33f: {  	s25 =	rddreg [dreg:$0x12]  }
0x340: {  	[hbm4b:s25+s3] =	stream.linear.scatter [tilespmem:s30], [sflag:$0x2], $0x8000, $0x38;
	[tilespmem:$0x18200] =	vst v63  }
0x341: {  	_ =	swait.ge [sflag:s29], $0x8000  }
0x342: {  	[sflag:s29] =	ssyncset.done $0x0  }
0x343: {  	s26 =	rddreg [dreg:$0x13];
	[sflag:s29] =	ssyncadd.s32 $0xFFFF8000  }
0x344: {  	[hbm4b:s26+s3] =	stream.linear.scatter [tilespmem:s10], [sflag:$0x2], $0x8000, $0x38;
	[tilespmem:$0x18200] =	vst v63  }
0x345: {  	_ =	swait.ge [sflag:s29], $0x8000  }
0x346: {  	[sflag:s29] =	ssyncset.done $0x0  }
0x347: {  	s28 =	rddreg [dreg:$0x14];
	[sflag:s29] =	ssyncadd.s32 $0xFFFF8000  }
0x348: {  	[hbm4b:s28+s3] =	stream.linear.scatter [tilespmem:s16], [sflag:$0x2], $0x8000, $0x38;
	[tilespmem:$0x18200] =	vst v63  }
0x349: {  	_ =	swait.ge [sflag:s31], $0x8000  }
0x34a: {  	[sflag:s31] =	ssyncset.done $0x0  }
0x34b: {  	[sflag:s31] =	ssyncadd.s32 $0xFFFF8000  }
0x34c: {  	p0 =	sne.s32 s8, $0x1;
	_ =	swait.ge [sflag:s31], $0x8000  }
.Ltmp0:
0x34d: {  	[sflag:s31] =	ssyncset.done $0x0;
	(pc) =	sbr.rel @p0 .LBB2_1-.Ltmp0, $4  }
0x34e: {  	[sflag:s31] =	ssyncadd.s32 $0xFFFF8000  }
0x34f: {  	_ =	swait.ge [sflag:s31], $0x8000  }
0x350: {  	[sflag:s31] =	ssyncset.done $0x0  }
0x351: {  	s8 =	sadd.s32 $0xFFFFFFFF, s8;
	[sflag:s31] =	ssyncadd.s32 $0xFFFF8000  }
0x352: {  	_ =	sfence.sel $0x180000  }
0x353: {  	[bflag:$0x0] =	sbarrier.arrive $0xFFFF  }
0x354: {  	_ =	strace $0x90000047  }
0x355: {  	s0 =	stileid.u32;
	[bflag:$0x2] =	sbarrier.arrive $0xFFFF  }
0x356: {  	p0 =	sne.s32 s0, $0x0;
	s0 =	rddreg [dreg:$0x3]  }
0x357: {  	s0 =	sadd.s32 @!p0 $0x100000, s0  }
0x358: {  	[sflag:s0] =	ssyncadd.tile.s32 @!p0 $0x1;
	_ =	shalt  }
.Lfunc_end2:
_tile_overlayer_lowered:
.L_overlay_start_2:
0x359: {  	(tag) =	ssettag $0x2  }
0x35a: {  	s0 =	rddreg [dreg:$0x0];
	s2 =	stileid.u32  }
0x35b: {  	s1 =	rddreg [dreg:$0x1];
	p0 =	sne.s32 s2, $0x0  }
0x35c: {  	s3 =	rddreg [dreg:$0x2];
	[bflag:$0x3] =	sbarrier.arrive $0xFFFF;
	s2 =	simm.s32 @!p0 $0x1C03  }
0x35d: {  	[timem:s3], [sflag:s2] =	dma.local @!p0 [hbm:s0], s1  }
0x35e: {  	s0 =	simm.s32 @!p0 $0x3  }
0x35f: {  	_ =	swait.ge @!p0 [sflag:s0], s1  }
0x360: {  	s1 =	ssub.s32 @!p0 $0x0, s1;
	[sflag:s0] =	ssyncset.done @!p0 $0x0  }
0x361: {  	[sflag:s0] =	ssyncadd.s32 @!p0 s1  }
0x362: {  	[bflag:$0x3] =	sbarrier.arrive $0xFFFF  }
0x363: {  	_ =	shalt  }

</sc_bundles>
